<compile_context>
chip_gen: v7x
topology: tpu7x:2x2x1
jax: 0.10.2.dev20260603
libtpu: 0.0.44.dev20260713+nightly
codegen_flags: <defaults>
</compile_context>

<pallas_src>
import jax
import jax.numpy as jnp
from jax import lax
from jax.experimental import pallas as pl
from jax.experimental.pallas import tpu as pltpu
from jax.experimental.pallas import tpu_sc as plsc

_BATCH = 128
_N = 32768
_L = 16
_NSTEP = _N // _L
_NW = 32
_ROWS_PER_W = _BATCH // _NW
_HBINS = 4096


def _f32_to_key(x):
    i = plsc.bitcast(x, jnp.int32)
    u = plsc.bitcast(x, jnp.uint32)
    s = lax.shift_right_arithmetic(i, 31)
    flip = plsc.bitcast(s, jnp.uint32) | jnp.uint32(0x80000000)
    return u ^ flip


def _key_to_f32(k):
    neg = k < jnp.uint32(0x80000000)
    u = jnp.where(neg, ~k, k ^ jnp.uint32(0x80000000))
    return plsc.bitcast(u, jnp.float32)


def _search(hist_v, nbins, kv):
    def step(i, carry):
        carry_s, bacc, wacc = carry
        h = hist_v[pl.ds(i * _L, _L)]
        run = carry_s + plsc.cumsum(h)
        le = run <= kv
        bacc = bacc + jnp.where(le, 1, 0)
        wacc = wacc + jnp.where(le, h, 0)
        return carry_s + jnp.sum(h), bacc, wacc

    zero = jnp.zeros((_L,), jnp.int32)
    _, bacc, wacc = lax.fori_loop(
        0, nbins // _L, step, (jnp.int32(0), zero, zero), unroll=4)
    return jnp.sum(bacc), jnp.sum(wacc)


def _zero(hist_v, nbins):
    def z(i, _):
        hist_v[pl.ds(i * _L, _L)] = jnp.zeros((_L,), jnp.int32)
        return 0
    lax.fori_loop(0, nbins // _L, z, 0, unroll=8)


def _sc_body(x_hbm, probs_hbm, out_hbm, row_v, key_v, hist_v, probs_v):
    c = lax.axis_index("c")
    s = lax.axis_index("s")
    wid = s * 2 + c
    pltpu.sync_copy(probs_hbm, probs_v)
    ones = jnp.ones((_L,), jnp.int32)

    def row_body(j, _):
        row = wid * _ROWS_PER_W + j
        pltpu.sync_copy(x_hbm.at[row], row_v)

        p16 = probs_v[pl.ds((row // _L) * _L, _L)]
        sel = lax.iota(jnp.int32, _L) == (row % _L)
        p = jnp.sum(jnp.where(sel, p16, 0.0))
        v = jnp.float32(_N) * p
        vi = v.astype(jnp.int32)
        ceil_v = vi + jnp.where(vi.astype(jnp.float32) < v, 1, 0)
        kv = jnp.clip(ceil_v - 1, 0, _N - 1)

        _zero(hist_v, _HBINS)

        def l0(i, _):
            x = row_v[pl.ds(i * _L, _L)]
            key = _f32_to_key(x)
            key_v[pl.ds(i * _L, _L)] = key
            b = (key >> jnp.uint32(20)).astype(jnp.int32)
            plsc.addupdate_scatter(hist_v, [b], ones)
            return 0

        lax.fori_loop(0, _NSTEP, l0, 0, unroll=8)
        b0, below0 = _search(hist_v, _HBINS, kv)
        kv = kv - below0
        pfx0 = b0.astype(jnp.uint32)

        _zero(hist_v, _HBINS)

        def l1(i, _):
            key = key_v[pl.ds(i * _L, _L)]
            m = (key >> jnp.uint32(20)) == pfx0
            b = ((key >> jnp.uint32(8)) & jnp.uint32(0xFFF)).astype(jnp.int32)
            plsc.addupdate_scatter(hist_v, [b], ones, mask=m)
            return 0

        lax.fori_loop(0, _NSTEP, l1, 0, unroll=8)
        b1, below1 = _search(hist_v, _HBINS, kv)
        kv = kv - below1
        pfx1 = (pfx0 << jnp.uint32(12)) | b1.astype(jnp.uint32)

        _zero(hist_v, 256)

        def l2(i, _):
            key = key_v[pl.ds(i * _L, _L)]
            m = (key >> jnp.uint32(8)) == pfx1
            b = (key & jnp.uint32(0xFF)).astype(jnp.int32)
            plsc.addupdate_scatter(hist_v, [b], ones, mask=m)
            return 0

        lax.fori_loop(0, _NSTEP, l2, 0, unroll=8)
        b2, _unused = _search(hist_v, 256, kv)
        tkey = (pfx1 << jnp.uint32(8)) | b2.astype(jnp.uint32)

        thresh = _key_to_f32(tkey + jnp.zeros((_L,), jnp.uint32))

        def mask_step(i, _, thresh=thresh):
            x = row_v[pl.ds(i * _L, _L)]
            row_v[pl.ds(i * _L, _L)] = jnp.where(x >= thresh, x, 0.0)
            return 0

        lax.fori_loop(0, _NSTEP, mask_step, 0, unroll=8)
        pltpu.sync_copy(row_v, out_hbm.at[row])
        return 0

    lax.fori_loop(0, _ROWS_PER_W, row_body, 0)


_sc_masking = pl.kernel(
    _sc_body,
    out_type=jax.ShapeDtypeStruct((_BATCH, _N), jnp.float32),
    mesh=plsc.VectorSubcoreMesh(core_axis_name="c", subcore_axis_name="s"),
    compiler_params=pltpu.CompilerParams(needs_layout_passes=False),
    scratch_types=[
        pltpu.VMEM((_N,), jnp.float32),
        pltpu.VMEM((_N,), jnp.uint32),
        pltpu.VMEM((_HBINS,), jnp.int32),
        pltpu.VMEM((_BATCH,), jnp.float32),
    ],
)


@jax.jit
def _masked(inputs, probs):
    return _sc_masking(inputs, probs)


def kernel(inputs, probs, training=True):
    out = _masked(inputs, probs)
    try:
        static_training = bool(training)
    except jax.errors.TracerBoolConversionError:
        return jnp.where(training, out, inputs)
    return out if static_training else inputs

# --- scband reference (transcript-rebuilt; emitter-appended) ---
"""Pipeline reference for scband-masking-38972533244197 (READ-ONLY COPY).

The authoritative reference and input builder live on the scoring server;
editing this copy changes nothing except your own understanding.
"""

import jax, jax.numpy as jnp
import numpy as np

BATCH = 128
N = 32768

def setup_inputs(seed: int = 0) -> dict:
    key = jax.random.key(seed)
    k1, k2 = jax.random.split(key)
    inputs = jax.random.normal(k1, (BATCH, N), dtype=jnp.float32)
    probs = jax.random.uniform(k2, (BATCH,), dtype=jnp.float32)
    return {"inputs": inputs, "probs": probs, "training": True}

def reference(inputs, probs, training=True):
    # Faithful JAX port of Masking(SMALL_VALUE_MASKING).call with deterministic
    # per-sample quantile probabilities `probs` (original draws them uniformly).
    batch = inputs.shape[0]
    n = int(np.prod(inputs.shape[1:]))  # tf.size(inputs[0])
    # _inverse_empirical_cdf
    index = jnp.maximum(jnp.ceil(jnp.float32(n) * probs).astype(jnp.int32) - 1, 0)
    reshaped = inputs.reshape(batch, -1)
    sorted_inputs = jnp.sort(reshaped, axis=1)
    threshold = sorted_inputs[jnp.arange(batch), index]
    # _small_value_masking
    rank = inputs.ndim
    threshold = threshold.reshape((-1,) + (1,) * (rank - 1))
    mask = 1.0 - (inputs < threshold).astype(inputs.dtype)
    return jnp.where(training, inputs * mask, inputs)

if __name__ == "__main__":
    import jax
    _d = setup_inputs()
    print(jax.jit(kernel)(*tuple(_d.values())))

</pallas_src>

<mosaic_0001>
#map = affine_map<(d0, d1) -> (0, 0)>
#map1 = affine_map<(d0, d1) -> (0)>
module attributes {stable_mosaic.version = 14 : i64} {
  func.func @_sc_body(%arg0: i32, %arg1: i32, %arg2: memref<128x32768xf32, #tpu.memory_space<hbm>>, %arg3: memref<128xf32, #tpu.memory_space<hbm>>, %arg4: memref<128x32768xf32, #tpu.memory_space<hbm>>, %arg5: memref<32768xf32, #tpu.memory_space<vmem>>, %arg6: memref<32768xi32, #tpu.memory_space<vmem>>, %arg7: memref<4096xi32, #tpu.memory_space<vmem>>, %arg8: memref<128xf32, #tpu.memory_space<vmem>>) attributes {dimension_semantics = [#tpu.dimension_semantics<core_parallel>, #tpu.dimension_semantics<subcore_parallel>], iteration_bounds = array<i64: 2, 16>, scalar_prefetch = 0 : i64, scratch_operands = 4 : i64, tpu.core_type = #tpu.core_type<sc_vector_subcore>, window_params = [{transform_indices = #map}, {transform_indices = #map1}, {transform_indices = #map}]} {
    %mul3A = arith.constant 2 : i32
    %mul3A_0 = arith.muli %arg1, %mul3A : i32
    %add3A = arith.addi %mul3A_0, %arg0 : i32
    "tpu.region"() ({
      %run_scoped3A = tpu.sem_alloc : memref<!tpu.dma_semaphore, #tpu.memory_space<semaphore_mem>>
      tpu.enqueue_dma source(%arg3 : memref<128xf32, #tpu.memory_space<hbm>>) target(%arg8 : memref<128xf32, #tpu.memory_space<vmem>>) target_semaphore(%run_scoped3A : memref<!tpu.dma_semaphore, #tpu.memory_space<semaphore_mem>>)
      tpu.wait_dma2 semaphore(%run_scoped3A : memref<!tpu.dma_semaphore, #tpu.memory_space<semaphore_mem>>) src(%arg3 : memref<128xf32, #tpu.memory_space<hbm>>) dst(%arg8 : memref<128xf32, #tpu.memory_space<vmem>>)
      tpu.yield
    }) : () -> ()
    %broadcast_in_dim3A = arith.constant 1 : i32
    %broadcast_in_dim3A_1 = vector.broadcast %broadcast_in_dim3A : i32 to vector<16xi32>
    %scan3A = arith.constant 0 : i32
    %scan3A_2 = arith.constant 0 : i32
    %scan3A_3 = arith.constant 4 : i32
    %scan3A_4 = arith.addi %scan3A_2, %scan3A_3 : i32
    %scan3A_5 = arith.constant 1 : i32
    %scan3A_6 = scf.for %scan3A_8 = %scan3A_2 to %scan3A_4 step %scan3A_5 iter_args(%scan3A_9 = %scan3A) -> (i32)  : i32 {
      %mul3A_10 = arith.constant 4 : i32
      %mul3A_11 = arith.muli %add3A, %mul3A_10 : i32
      %add3A_12 = arith.addi %mul3A_11, %scan3A_8 : i32
      "tpu.region"() ({
        %run_scoped3A = tpu.sem_alloc : memref<!tpu.dma_semaphore, #tpu.memory_space<semaphore_mem>>
        %dma_start3A = arith.constant 0 : i32
        %dma_start3A_184 = tpu.memref_slice %arg2[%add3A_12, %dma_start3A] : memref<128x32768xf32, #tpu.memory_space<hbm>> -> memref<1x32768xf32, #tpu.memory_space<hbm>>
        %dma_start3A_185 = tpu.memref_squeeze %dma_start3A_184 : memref<1x32768xf32, #tpu.memory_space<hbm>> -> memref<32768xf32, #tpu.memory_space<hbm>>
        %dma_start3A_186 = arith.constant 0 : i32
        %dma_start3A_187 = tpu.memref_slice %arg2[%add3A_12, %dma_start3A_186] : memref<128x32768xf32, #tpu.memory_space<hbm>> -> memref<1x32768xf32, #tpu.memory_space<hbm>>
        %dma_start3A_188 = tpu.memref_squeeze %dma_start3A_187 : memref<1x32768xf32, #tpu.memory_space<hbm>> -> memref<32768xf32, #tpu.memory_space<hbm>>
        tpu.enqueue_dma source(%dma_start3A_188 : memref<32768xf32, #tpu.memory_space<hbm>>) target(%arg5 : memref<32768xf32, #tpu.memory_space<vmem>>) target_semaphore(%run_scoped3A : memref<!tpu.dma_semaphore, #tpu.memory_space<semaphore_mem>>)
        %dma_wait3A = arith.constant 0 : i32
        %dma_wait3A_189 = tpu.memref_slice %arg2[%add3A_12, %dma_wait3A] : memref<128x32768xf32, #tpu.memory_space<hbm>> -> memref<1x32768xf32, #tpu.memory_space<hbm>>
        %dma_wait3A_190 = tpu.memref_squeeze %dma_wait3A_189 : memref<1x32768xf32, #tpu.memory_space<hbm>> -> memref<32768xf32, #tpu.memory_space<hbm>>
        %dma_wait3A_191 = arith.constant 0 : i32
        %dma_wait3A_192 = tpu.memref_slice %arg2[%add3A_12, %dma_wait3A_191] : memref<128x32768xf32, #tpu.memory_space<hbm>> -> memref<1x32768xf32, #tpu.memory_space<hbm>>
        %dma_wait3A_193 = tpu.memref_squeeze %dma_wait3A_192 : memref<1x32768xf32, #tpu.memory_space<hbm>> -> memref<32768xf32, #tpu.memory_space<hbm>>
        tpu.wait_dma2 semaphore(%run_scoped3A : memref<!tpu.dma_semaphore, #tpu.memory_space<semaphore_mem>>) src(%dma_wait3A_193 : memref<32768xf32, #tpu.memory_space<hbm>>) dst(%arg5 : memref<32768xf32, #tpu.memory_space<vmem>>)
        tpu.yield
      }) : () -> ()
      %jit3A = arith.constant 16 : i32
      %div3A = arith.divsi %add3A_12, %jit3A : i32
      %sign3A = arith.constant 0 : i32
      %sign3A_13 = arith.cmpi sgt, %add3A_12, %sign3A : i32
      %sign3A_14 = arith.extui %sign3A_13 : i1 to i32
      %sign3A_15 = arith.constant 0 : i32
      %sign3A_16 = arith.cmpi slt, %add3A_12, %sign3A_15 : i32
      %sign3A_17 = arith.extui %sign3A_16 : i1 to i32
      %sign3A_18 = arith.subi %sign3A_14, %sign3A_17 : i32
      %sign3A_19 = arith.constant 0 : i32
      %sign3A_20 = arith.cmpi sgt, %jit3A, %sign3A_19 : i32
      %sign3A_21 = arith.extui %sign3A_20 : i1 to i32
      %sign3A_22 = arith.constant 0 : i32
      %sign3A_23 = arith.cmpi slt, %jit3A, %sign3A_22 : i32
      %sign3A_24 = arith.extui %sign3A_23 : i1 to i32
      %sign3A_25 = arith.subi %sign3A_21, %sign3A_24 : i32
      %ne3A = arith.cmpi ne, %sign3A_18, %sign3A_25 : i32
      %rem3A = arith.remsi %add3A_12, %jit3A : i32
      %ne3A_26 = arith.constant 0 : i32
      %ne3A_27 = arith.cmpi ne, %rem3A, %ne3A_26 : i32
      %and3A = arith.andi %ne3A, %ne3A_27 : i1
      %sub3A = arith.constant 1 : i32
      %sub3A_28 = arith.subi %div3A, %sub3A : i32
      %select_n3A = arith.select %and3A, %sub3A_28, %div3A : i32
      %mul3A_29 = arith.constant 16 : i32
      %mul3A_30 = arith.muli %select_n3A, %mul3A_29 : i32
      %get3A = arith.index_cast %mul3A_30 : i32 to index
      %get3A_31 = tpu.vector_load %arg8[%get3A] {strides = array<i32>} : memref<128xf32, #tpu.memory_space<vmem>>, vector<16xf32>,
      %iota3A = tpu.iota {dimensions = array<i32: 0>} : vector<16xi32>
      %jit3A_32 = arith.constant 16 : i32
      %eq3A = arith.constant 0 : i32
      %eq3A_33 = arith.cmpi eq, %jit3A_32, %eq3A : i32
      %jit3A_34 = arith.constant 1 : i32
      %select_n3A_35 = arith.select %eq3A_33, %jit3A_34, %jit3A_32 : i32
      %rem3A_36 = arith.remsi %add3A_12, %select_n3A_35 : i32
      %ne3A_37 = arith.constant 0 : i32
      %ne3A_38 = arith.cmpi ne, %rem3A_36, %ne3A_37 : i32
      %lt3A = arith.constant 0 : i32
      %lt3A_39 = arith.cmpi slt, %rem3A_36, %lt3A : i32
      %lt3A_40 = arith.constant 0 : i32
      %lt3A_41 = arith.cmpi slt, %select_n3A_35, %lt3A_40 : i32
      %ne3A_42 = arith.xori %lt3A_39, %lt3A_41 : i1
      %and3A_43 = arith.andi %ne3A_42, %ne3A_38 : i1
      %add3A_44 = arith.addi %rem3A_36, %select_n3A_35 : i32
      %select_n3A_45 = arith.select %and3A_43, %add3A_44, %rem3A_36 : i32
      %eq3A_46 = vector.broadcast %select_n3A_45 : i32 to vector<16xi32>
      %eq3A_47 = arith.cmpi eq, %iota3A, %eq3A_46 : vector<16xi32>
      %jit3A_48 = arith.constant 0.000000e+00 : f32
      %broadcast_in_dim3A_49 = vector.broadcast %jit3A_48 : f32 to vector<16xf32>
      %select_n3A_50 = arith.select %eq3A_47, %get3A_31, %broadcast_in_dim3A_49 : vector<16xi1>, vector<16xf32>
      %reduce_sum3A = arith.constant true
      %reduce_sum3A_51 = vector.broadcast %reduce_sum3A : i1 to vector<16xi1>
      %reduce_sum3A_52 = tpu.scan <sum>, %select_n3A_50 masked %reduce_sum3A_51 : vector<16xf32>, vector<16xi1> -> vector<16xf32>
      %reduce_sum3A_53 = vector.extract %reduce_sum3A_52[15] : f32 from vector<16xf32>
      %mul3A_54 = arith.constant 3.276800e+04 : f32
      %mul3A_55 = arith.mulf %mul3A_54, %reduce_sum3A_53 : f32
      %convert_element_type3A = arith.fptosi %mul3A_55 : f32 to i32
      %convert_element_type3A_56 = arith.sitofp %convert_element_type3A : i32 to f32
      %lt3A_57 = arith.cmpf olt, %convert_element_type3A_56, %mul3A_55 : f32
      %jit3A_58 = arith.constant 1 : i32
      %jit3A_59 = arith.constant 0 : i32
      %select_n3A_60 = arith.select %lt3A_57, %jit3A_58, %jit3A_59 : i32
      %add3A_61 = arith.addi %convert_element_type3A, %select_n3A_60 : i32
      %sub3A_62 = arith.constant 1 : i32
      %sub3A_63 = arith.subi %add3A_61, %sub3A_62 : i32
      %jit3A_64 = arith.constant 0 : i32
      %jit3A_65 = arith.constant 32767 : i32
      %max3A = arith.maxsi %jit3A_64, %sub3A_63 : i32
      %min3A = arith.minsi %jit3A_65, %max3A : i32
      %scan3A_66 = arith.constant 0 : i32
      %scan3A_67 = arith.constant 0 : i32
      %scan3A_68 = arith.constant 256 : i32
      %scan3A_69 = arith.addi %scan3A_67, %scan3A_68 : i32
      %scan3A_70 = arith.constant 8 : i32
      %scan3A_71 = scf.for %scan3A_184 = %scan3A_67 to %scan3A_69 step %scan3A_70 iter_args(%scan3A_185 = %scan3A_66) -> (i32)  : i32 {
        %broadcast_in_dim3A_186 = arith.constant 0 : i32
        %broadcast_in_dim3A_187 = vector.broadcast %broadcast_in_dim3A_186 : i32 to vector<16xi32>
        %mul3A_188 = arith.constant 16 : i32
        %mul3A_189 = arith.muli %scan3A_184, %mul3A_188 : i32
        %swap3A = arith.index_cast %mul3A_189 : i32 to index
        %swap3A_190 = tpu.vector_load %arg7[%swap3A] {strides = array<i32>} : memref<4096xi32, #tpu.memory_space<vmem>>, vector<16xi32>,
        tpu.vector_store %arg7[%swap3A], %broadcast_in_dim3A_187 {strides = array<i32>} : memref<4096xi32, #tpu.memory_space<vmem>>, vector<16xi32>,
        %scan3A_191 = arith.constant 0 : i32
        %scan3A_192 = arith.constant 1 : i32
        %scan3A_193 = arith.addi %scan3A_184, %scan3A_192 : i32
        %broadcast_in_dim3A_194 = arith.constant 0 : i32
        %broadcast_in_dim3A_195 = vector.broadcast %broadcast_in_dim3A_194 : i32 to vector<16xi32>
        %mul3A_196 = arith.constant 16 : i32
        %mul3A_197 = arith.muli %scan3A_193, %mul3A_196 : i32
        %swap3A_198 = arith.index_cast %mul3A_197 : i32 to index
        %swap3A_199 = tpu.vector_load %arg7[%swap3A_198] {strides = array<i32>} : memref<4096xi32, #tpu.memory_space<vmem>>, vector<16xi32>,
        tpu.vector_store %arg7[%swap3A_198], %broadcast_in_dim3A_195 {strides = array<i32>} : memref<4096xi32, #tpu.memory_space<vmem>>, vector<16xi32>,
        %scan3A_200 = arith.constant 0 : i32
        %scan3A_201 = arith.constant 2 : i32
        %scan3A_202 = arith.addi %scan3A_184, %scan3A_201 : i32
        %broadcast_in_dim3A_203 = arith.constant 0 : i32
        %broadcast_in_dim3A_204 = vector.broadcast %broadcast_in_dim3A_203 : i32 to vector<16xi32>
        %mul3A_205 = arith.constant 16 : i32
        %mul3A_206 = arith.muli %scan3A_202, %mul3A_205 : i32
        %swap3A_207 = arith.index_cast %mul3A_206 : i32 to index
        %swap3A_208 = tpu.vector_load %arg7[%swap3A_207] {strides = array<i32>} : memref<4096xi32, #tpu.memory_space<vmem>>, vector<16xi32>,
        tpu.vector_store %arg7[%swap3A_207], %broadcast_in_dim3A_204 {strides = array<i32>} : memref<4096xi32, #tpu.memory_space<vmem>>, vector<16xi32>,
        %scan3A_209 = arith.constant 0 : i32
        %scan3A_210 = arith.constant 3 : i32
        %scan3A_211 = arith.addi %scan3A_184, %scan3A_210 : i32
        %broadcast_in_dim3A_212 = arith.constant 0 : i32
        %broadcast_in_dim3A_213 = vector.broadcast %broadcast_in_dim3A_212 : i32 to vector<16xi32>
        %mul3A_214 = arith.constant 16 : i32
        %mul3A_215 = arith.muli %scan3A_211, %mul3A_214 : i32
        %swap3A_216 = arith.index_cast %mul3A_215 : i32 to index
        %swap3A_217 = tpu.vector_load %arg7[%swap3A_216] {strides = array<i32>} : memref<4096xi32, #tpu.memory_space<vmem>>, vector<16xi32>,
        tpu.vector_store %arg7[%swap3A_216], %broadcast_in_dim3A_213 {strides = array<i32>} : memref<4096xi32, #tpu.memory_space<vmem>>, vector<16xi32>,
        %scan3A_218 = arith.constant 0 : i32
        %scan3A_219 = arith.constant 4 : i32
        %scan3A_220 = arith.addi %scan3A_184, %scan3A_219 : i32
        %broadcast_in_dim3A_221 = arith.constant 0 : i32
        %broadcast_in_dim3A_222 = vector.broadcast %broadcast_in_dim3A_221 : i32 to vector<16xi32>
        %mul3A_223 = arith.constant 16 : i32
        %mul3A_224 = arith.muli %scan3A_220, %mul3A_223 : i32
        %swap3A_225 = arith.index_cast %mul3A_224 : i32 to index
        %swap3A_226 = tpu.vector_load %arg7[%swap3A_225] {strides = array<i32>} : memref<4096xi32, #tpu.memory_space<vmem>>, vector<16xi32>,
        tpu.vector_store %arg7[%swap3A_225], %broadcast_in_dim3A_222 {strides = array<i32>} : memref<4096xi32, #tpu.memory_space<vmem>>, vector<16xi32>,
        %scan3A_227 = arith.constant 0 : i32
        %scan3A_228 = arith.constant 5 : i32
        %scan3A_229 = arith.addi %scan3A_184, %scan3A_228 : i32
        %broadcast_in_dim3A_230 = arith.constant 0 : i32
        %broadcast_in_dim3A_231 = vector.broadcast %broadcast_in_dim3A_230 : i32 to vector<16xi32>
        %mul3A_232 = arith.constant 16 : i32
        %mul3A_233 = arith.muli %scan3A_229, %mul3A_232 : i32
        %swap3A_234 = arith.index_cast %mul3A_233 : i32 to index
        %swap3A_235 = tpu.vector_load %arg7[%swap3A_234] {strides = array<i32>} : memref<4096xi32, #tpu.memory_space<vmem>>, vector<16xi32>,
        tpu.vector_store %arg7[%swap3A_234], %broadcast_in_dim3A_231 {strides = array<i32>} : memref<4096xi32, #tpu.memory_space<vmem>>, vector<16xi32>,
        %scan3A_236 = arith.constant 0 : i32
        %scan3A_237 = arith.constant 6 : i32
        %scan3A_238 = arith.addi %scan3A_184, %scan3A_237 : i32
        %broadcast_in_dim3A_239 = arith.constant 0 : i32
        %broadcast_in_dim3A_240 = vector.broadcast %broadcast_in_dim3A_239 : i32 to vector<16xi32>
        %mul3A_241 = arith.constant 16 : i32
        %mul3A_242 = arith.muli %scan3A_238, %mul3A_241 : i32
        %swap3A_243 = arith.index_cast %mul3A_242 : i32 to index
        %swap3A_244 = tpu.vector_load %arg7[%swap3A_243] {strides = array<i32>} : memref<4096xi32, #tpu.memory_space<vmem>>, vector<16xi32>,
        tpu.vector_store %arg7[%swap3A_243], %broadcast_in_dim3A_240 {strides = array<i32>} : memref<4096xi32, #tpu.memory_space<vmem>>, vector<16xi32>,
        %scan3A_245 = arith.constant 0 : i32
        %scan3A_246 = arith.constant 7 : i32
        %scan3A_247 = arith.addi %scan3A_184, %scan3A_246 : i32
        %broadcast_in_dim3A_248 = arith.constant 0 : i32
        %broadcast_in_dim3A_249 = vector.broadcast %broadcast_in_dim3A_248 : i32 to vector<16xi32>
        %mul3A_250 = arith.constant 16 : i32
        %mul3A_251 = arith.muli %scan3A_247, %mul3A_250 : i32
        %swap3A_252 = arith.index_cast %mul3A_251 : i32 to index
        %swap3A_253 = tpu.vector_load %arg7[%swap3A_252] {strides = array<i32>} : memref<4096xi32, #tpu.memory_space<vmem>>, vector<16xi32>,
        tpu.vector_store %arg7[%swap3A_252], %broadcast_in_dim3A_249 {strides = array<i32>} : memref<4096xi32, #tpu.memory_space<vmem>>, vector<16xi32>,
        %scan3A_254 = arith.constant 0 : i32
        scf.yield %scan3A_254 : i32
      }
      %scan3A_72 = arith.constant 256 : i32
      %scan3A_73 = arith.constant 0 : i32
      %scan3A_74 = arith.constant 0 : i32
      %scan3A_75 = arith.constant 2048 : i32
      %scan3A_76 = arith.addi %scan3A_74, %scan3A_75 : i32
      %scan3A_77 = arith.constant 8 : i32
      %scan3A_78 = scf.for %scan3A_184 = %scan3A_74 to %scan3A_76 step %scan3A_77 iter_args(%scan3A_185 = %scan3A_73) -> (i32)  : i32 {
        %mul3A_186 = arith.constant 16 : i32
        %mul3A_187 = arith.muli %scan3A_184, %mul3A_186 : i32
        %get3A_188 = arith.index_cast %mul3A_187 : i32 to index
        %get3A_189 = tpu.vector_load %arg5[%get3A_188] {strides = array<i32>} : memref<32768xf32, #tpu.memory_space<vmem>>, vector<16xf32>,
        %bitcast3A_190 = vector.bitcast %get3A_189 : vector<16xf32> to vector<16xi32>
        %bitcast3A_191 = vector.bitcast %get3A_189 : vector<16xf32> to vector<16xi32>
        %shift_right_arithmetic3A = arith.constant 31 : i32
        %shift_right_arithmetic3A_192 = vector.broadcast %shift_right_arithmetic3A : i32 to vector<16xi32>
        %shift_right_arithmetic3A_193 = arith.shrsi %bitcast3A_190, %shift_right_arithmetic3A_192 : vector<16xi32>
        %bitcast3A_194 = vector.bitcast %shift_right_arithmetic3A_193 : vector<16xi32> to vector<16xi32>
        %or3A_195 = arith.constant -2147483648 : i32
        %or3A_196 = vector.broadcast %or3A_195 : i32 to vector<16xi32>
        %or3A_197 = arith.ori %bitcast3A_194, %or3A_196 : vector<16xi32>
        %xor3A_198 = arith.xori %bitcast3A_191, %or3A_197 : vector<16xi32>
        %mul3A_199 = arith.constant 16 : i32
        %mul3A_200 = arith.muli %scan3A_184, %mul3A_199 : i32
        %swap3A = arith.index_cast %mul3A_200 : i32 to index
        %swap3A_201 = tpu.vector_load %arg6[%swap3A] {strides = array<i32>} : memref<32768xi32, #tpu.memory_space<vmem>>, vector<16xi32>,
        tpu.vector_store %arg6[%swap3A], %xor3A_198 {strides = array<i32>} : memref<32768xi32, #tpu.memory_space<vmem>>, vector<16xi32>,
        %shift_right_logical3A = arith.constant 20 : i32
        %shift_right_logical3A_202 = vector.broadcast %shift_right_logical3A : i32 to vector<16xi32>
        %shift_right_logical3A_203 = arith.shrui %xor3A_198, %shift_right_logical3A_202 : vector<16xi32>
        tpu.vector_store_idx %arg7[%shift_right_logical3A_203], %broadcast_in_dim3A_1 {add = true} : memref<4096xi32, #tpu.memory_space<vmem>>[vector<16xi32>], vector<16xi32>,
        %scan3A_204 = arith.constant 0 : i32
        %scan3A_205 = arith.constant 1 : i32
        %scan3A_206 = arith.addi %scan3A_184, %scan3A_205 : i32
        %mul3A_207 = arith.constant 16 : i32
        %mul3A_208 = arith.muli %scan3A_206, %mul3A_207 : i32
        %get3A_209 = arith.index_cast %mul3A_208 : i32 to index
        %get3A_210 = tpu.vector_load %arg5[%get3A_209] {strides = array<i32>} : memref<32768xf32, #tpu.memory_space<vmem>>, vector<16xf32>,
        %bitcast3A_211 = vector.bitcast %get3A_210 : vector<16xf32> to vector<16xi32>
        %bitcast3A_212 = vector.bitcast %get3A_210 : vector<16xf32> to vector<16xi32>
        %shift_right_arithmetic3A_213 = arith.constant 31 : i32
        %shift_right_arithmetic3A_214 = vector.broadcast %shift_right_arithmetic3A_213 : i32 to vector<16xi32>
        %shift_right_arithmetic3A_215 = arith.shrsi %bitcast3A_211, %shift_right_arithmetic3A_214 : vector<16xi32>
        %bitcast3A_216 = vector.bitcast %shift_right_arithmetic3A_215 : vector<16xi32> to vector<16xi32>
        %or3A_217 = arith.constant -2147483648 : i32
        %or3A_218 = vector.broadcast %or3A_217 : i32 to vector<16xi32>
        %or3A_219 = arith.ori %bitcast3A_216, %or3A_218 : vector<16xi32>
        %xor3A_220 = arith.xori %bitcast3A_212, %or3A_219 : vector<16xi32>
        %mul3A_221 = arith.constant 16 : i32
        %mul3A_222 = arith.muli %scan3A_206, %mul3A_221 : i32
        %swap3A_223 = arith.index_cast %mul3A_222 : i32 to index
        %swap3A_224 = tpu.vector_load %arg6[%swap3A_223] {strides = array<i32>} : memref<32768xi32, #tpu.memory_space<vmem>>, vector<16xi32>,
        tpu.vector_store %arg6[%swap3A_223], %xor3A_220 {strides = array<i32>} : memref<32768xi32, #tpu.memory_space<vmem>>, vector<16xi32>,
        %shift_right_logical3A_225 = arith.constant 20 : i32
        %shift_right_logical3A_226 = vector.broadcast %shift_right_logical3A_225 : i32 to vector<16xi32>
        %shift_right_logical3A_227 = arith.shrui %xor3A_220, %shift_right_logical3A_226 : vector<16xi32>
        tpu.vector_store_idx %arg7[%shift_right_logical3A_227], %broadcast_in_dim3A_1 {add = true} : memref<4096xi32, #tpu.memory_space<vmem>>[vector<16xi32>], vector<16xi32>,
        %scan3A_228 = arith.constant 0 : i32
        %scan3A_229 = arith.constant 2 : i32
        %scan3A_230 = arith.addi %scan3A_184, %scan3A_229 : i32
        %mul3A_231 = arith.constant 16 : i32
        %mul3A_232 = arith.muli %scan3A_230, %mul3A_231 : i32
        %get3A_233 = arith.index_cast %mul3A_232 : i32 to index
        %get3A_234 = tpu.vector_load %arg5[%get3A_233] {strides = array<i32>} : memref<32768xf32, #tpu.memory_space<vmem>>, vector<16xf32>,
        %bitcast3A_235 = vector.bitcast %get3A_234 : vector<16xf32> to vector<16xi32>
        %bitcast3A_236 = vector.bitcast %get3A_234 : vector<16xf32> to vector<16xi32>
        %shift_right_arithmetic3A_237 = arith.constant 31 : i32
        %shift_right_arithmetic3A_238 = vector.broadcast %shift_right_arithmetic3A_237 : i32 to vector<16xi32>
        %shift_right_arithmetic3A_239 = arith.shrsi %bitcast3A_235, %shift_right_arithmetic3A_238 : vector<16xi32>
        %bitcast3A_240 = vector.bitcast %shift_right_arithmetic3A_239 : vector<16xi32> to vector<16xi32>
        %or3A_241 = arith.constant -2147483648 : i32
        %or3A_242 = vector.broadcast %or3A_241 : i32 to vector<16xi32>
        %or3A_243 = arith.ori %bitcast3A_240, %or3A_242 : vector<16xi32>
        %xor3A_244 = arith.xori %bitcast3A_236, %or3A_243 : vector<16xi32>
        %mul3A_245 = arith.constant 16 : i32
        %mul3A_246 = arith.muli %scan3A_230, %mul3A_245 : i32
        %swap3A_247 = arith.index_cast %mul3A_246 : i32 to index
        %swap3A_248 = tpu.vector_load %arg6[%swap3A_247] {strides = array<i32>} : memref<32768xi32, #tpu.memory_space<vmem>>, vector<16xi32>,
        tpu.vector_store %arg6[%swap3A_247], %xor3A_244 {strides = array<i32>} : memref<32768xi32, #tpu.memory_space<vmem>>, vector<16xi32>,
        %shift_right_logical3A_249 = arith.constant 20 : i32
        %shift_right_logical3A_250 = vector.broadcast %shift_right_logical3A_249 : i32 to vector<16xi32>
        %shift_right_logical3A_251 = arith.shrui %xor3A_244, %shift_right_logical3A_250 : vector<16xi32>
        tpu.vector_store_idx %arg7[%shift_right_logical3A_251], %broadcast_in_dim3A_1 {add = true} : memref<4096xi32, #tpu.memory_space<vmem>>[vector<16xi32>], vector<16xi32>,
        %scan3A_252 = arith.constant 0 : i32
        %scan3A_253 = arith.constant 3 : i32
        %scan3A_254 = arith.addi %scan3A_184, %scan3A_253 : i32
        %mul3A_255 = arith.constant 16 : i32
        %mul3A_256 = arith.muli %scan3A_254, %mul3A_255 : i32
        %get3A_257 = arith.index_cast %mul3A_256 : i32 to index
        %get3A_258 = tpu.vector_load %arg5[%get3A_257] {strides = array<i32>} : memref<32768xf32, #tpu.memory_space<vmem>>, vector<16xf32>,
        %bitcast3A_259 = vector.bitcast %get3A_258 : vector<16xf32> to vector<16xi32>
        %bitcast3A_260 = vector.bitcast %get3A_258 : vector<16xf32> to vector<16xi32>
        %shift_right_arithmetic3A_261 = arith.constant 31 : i32
        %shift_right_arithmetic3A_262 = vector.broadcast %shift_right_arithmetic3A_261 : i32 to vector<16xi32>
        %shift_right_arithmetic3A_263 = arith.shrsi %bitcast3A_259, %shift_right_arithmetic3A_262 : vector<16xi32>
        %bitcast3A_264 = vector.bitcast %shift_right_arithmetic3A_263 : vector<16xi32> to vector<16xi32>
        %or3A_265 = arith.constant -2147483648 : i32
        %or3A_266 = vector.broadcast %or3A_265 : i32 to vector<16xi32>
        %or3A_267 = arith.ori %bitcast3A_264, %or3A_266 : vector<16xi32>
        %xor3A_268 = arith.xori %bitcast3A_260, %or3A_267 : vector<16xi32>
        %mul3A_269 = arith.constant 16 : i32
        %mul3A_270 = arith.muli %scan3A_254, %mul3A_269 : i32
        %swap3A_271 = arith.index_cast %mul3A_270 : i32 to index
        %swap3A_272 = tpu.vector_load %arg6[%swap3A_271] {strides = array<i32>} : memref<32768xi32, #tpu.memory_space<vmem>>, vector<16xi32>,
        tpu.vector_store %arg6[%swap3A_271], %xor3A_268 {strides = array<i32>} : memref<32768xi32, #tpu.memory_space<vmem>>, vector<16xi32>,
        %shift_right_logical3A_273 = arith.constant 20 : i32
        %shift_right_logical3A_274 = vector.broadcast %shift_right_logical3A_273 : i32 to vector<16xi32>
        %shift_right_logical3A_275 = arith.shrui %xor3A_268, %shift_right_logical3A_274 : vector<16xi32>
        tpu.vector_store_idx %arg7[%shift_right_logical3A_275], %broadcast_in_dim3A_1 {add = true} : memref<4096xi32, #tpu.memory_space<vmem>>[vector<16xi32>], vector<16xi32>,
        %scan3A_276 = arith.constant 0 : i32
        %scan3A_277 = arith.constant 4 : i32
        %scan3A_278 = arith.addi %scan3A_184, %scan3A_277 : i32
        %mul3A_279 = arith.constant 16 : i32
        %mul3A_280 = arith.muli %scan3A_278, %mul3A_279 : i32
        %get3A_281 = arith.index_cast %mul3A_280 : i32 to index
        %get3A_282 = tpu.vector_load %arg5[%get3A_281] {strides = array<i32>} : memref<32768xf32, #tpu.memory_space<vmem>>, vector<16xf32>,
        %bitcast3A_283 = vector.bitcast %get3A_282 : vector<16xf32> to vector<16xi32>
        %bitcast3A_284 = vector.bitcast %get3A_282 : vector<16xf32> to vector<16xi32>
        %shift_right_arithmetic3A_285 = arith.constant 31 : i32
        %shift_right_arithmetic3A_286 = vector.broadcast %shift_right_arithmetic3A_285 : i32 to vector<16xi32>
        %shift_right_arithmetic3A_287 = arith.shrsi %bitcast3A_283, %shift_right_arithmetic3A_286 : vector<16xi32>
        %bitcast3A_288 = vector.bitcast %shift_right_arithmetic3A_287 : vector<16xi32> to vector<16xi32>
        %or3A_289 = arith.constant -2147483648 : i32
        %or3A_290 = vector.broadcast %or3A_289 : i32 to vector<16xi32>
        %or3A_291 = arith.ori %bitcast3A_288, %or3A_290 : vector<16xi32>
        %xor3A_292 = arith.xori %bitcast3A_284, %or3A_291 : vector<16xi32>
        %mul3A_293 = arith.constant 16 : i32
        %mul3A_294 = arith.muli %scan3A_278, %mul3A_293 : i32
        %swap3A_295 = arith.index_cast %mul3A_294 : i32 to index
        %swap3A_296 = tpu.vector_load %arg6[%swap3A_295] {strides = array<i32>} : memref<32768xi32, #tpu.memory_space<vmem>>, vector<16xi32>,
        tpu.vector_store %arg6[%swap3A_295], %xor3A_292 {strides = array<i32>} : memref<32768xi32, #tpu.memory_space<vmem>>, vector<16xi32>,
        %shift_right_logical3A_297 = arith.constant 20 : i32
        %shift_right_logical3A_298 = vector.broadcast %shift_right_logical3A_297 : i32 to vector<16xi32>
        %shift_right_logical3A_299 = arith.shrui %xor3A_292, %shift_right_logical3A_298 : vector<16xi32>
        tpu.vector_store_idx %arg7[%shift_right_logical3A_299], %broadcast_in_dim3A_1 {add = true} : memref<4096xi32, #tpu.memory_space<vmem>>[vector<16xi32>], vector<16xi32>,
        %scan3A_300 = arith.constant 0 : i32
        %scan3A_301 = arith.constant 5 : i32
        %scan3A_302 = arith.addi %scan3A_184, %scan3A_301 : i32
        %mul3A_303 = arith.constant 16 : i32
        %mul3A_304 = arith.muli %scan3A_302, %mul3A_303 : i32
        %get3A_305 = arith.index_cast %mul3A_304 : i32 to index
        %get3A_306 = tpu.vector_load %arg5[%get3A_305] {strides = array<i32>} : memref<32768xf32, #tpu.memory_space<vmem>>, vector<16xf32>,
        %bitcast3A_307 = vector.bitcast %get3A_306 : vector<16xf32> to vector<16xi32>
        %bitcast3A_308 = vector.bitcast %get3A_306 : vector<16xf32> to vector<16xi32>
        %shift_right_arithmetic3A_309 = arith.constant 31 : i32
        %shift_right_arithmetic3A_310 = vector.broadcast %shift_right_arithmetic3A_309 : i32 to vector<16xi32>
        %shift_right_arithmetic3A_311 = arith.shrsi %bitcast3A_307, %shift_right_arithmetic3A_310 : vector<16xi32>
        %bitcast3A_312 = vector.bitcast %shift_right_arithmetic3A_311 : vector<16xi32> to vector<16xi32>
        %or3A_313 = arith.constant -2147483648 : i32
        %or3A_314 = vector.broadcast %or3A_313 : i32 to vector<16xi32>
        %or3A_315 = arith.ori %bitcast3A_312, %or3A_314 : vector<16xi32>
        %xor3A_316 = arith.xori %bitcast3A_308, %or3A_315 : vector<16xi32>
        %mul3A_317 = arith.constant 16 : i32
        %mul3A_318 = arith.muli %scan3A_302, %mul3A_317 : i32
        %swap3A_319 = arith.index_cast %mul3A_318 : i32 to index
        %swap3A_320 = tpu.vector_load %arg6[%swap3A_319] {strides = array<i32>} : memref<32768xi32, #tpu.memory_space<vmem>>, vector<16xi32>,
        tpu.vector_store %arg6[%swap3A_319], %xor3A_316 {strides = array<i32>} : memref<32768xi32, #tpu.memory_space<vmem>>, vector<16xi32>,
        %shift_right_logical3A_321 = arith.constant 20 : i32
        %shift_right_logical3A_322 = vector.broadcast %shift_right_logical3A_321 : i32 to vector<16xi32>
        %shift_right_logical3A_323 = arith.shrui %xor3A_316, %shift_right_logical3A_322 : vector<16xi32>
        tpu.vector_store_idx %arg7[%shift_right_logical3A_323], %broadcast_in_dim3A_1 {add = true} : memref<4096xi32, #tpu.memory_space<vmem>>[vector<16xi32>], vector<16xi32>,
        %scan3A_324 = arith.constant 0 : i32
        %scan3A_325 = arith.constant 6 : i32
        %scan3A_326 = arith.addi %scan3A_184, %scan3A_325 : i32
        %mul3A_327 = arith.constant 16 : i32
        %mul3A_328 = arith.muli %scan3A_326, %mul3A_327 : i32
        %get3A_329 = arith.index_cast %mul3A_328 : i32 to index
        %get3A_330 = tpu.vector_load %arg5[%get3A_329] {strides = array<i32>} : memref<32768xf32, #tpu.memory_space<vmem>>, vector<16xf32>,
        %bitcast3A_331 = vector.bitcast %get3A_330 : vector<16xf32> to vector<16xi32>
        %bitcast3A_332 = vector.bitcast %get3A_330 : vector<16xf32> to vector<16xi32>
        %shift_right_arithmetic3A_333 = arith.constant 31 : i32
        %shift_right_arithmetic3A_334 = vector.broadcast %shift_right_arithmetic3A_333 : i32 to vector<16xi32>
        %shift_right_arithmetic3A_335 = arith.shrsi %bitcast3A_331, %shift_right_arithmetic3A_334 : vector<16xi32>
        %bitcast3A_336 = vector.bitcast %shift_right_arithmetic3A_335 : vector<16xi32> to vector<16xi32>
        %or3A_337 = arith.constant -2147483648 : i32
        %or3A_338 = vector.broadcast %or3A_337 : i32 to vector<16xi32>
        %or3A_339 = arith.ori %bitcast3A_336, %or3A_338 : vector<16xi32>
        %xor3A_340 = arith.xori %bitcast3A_332, %or3A_339 : vector<16xi32>
        %mul3A_341 = arith.constant 16 : i32
        %mul3A_342 = arith.muli %scan3A_326, %mul3A_341 : i32
        %swap3A_343 = arith.index_cast %mul3A_342 : i32 to index
        %swap3A_344 = tpu.vector_load %arg6[%swap3A_343] {strides = array<i32>} : memref<32768xi32, #tpu.memory_space<vmem>>, vector<16xi32>,
        tpu.vector_store %arg6[%swap3A_343], %xor3A_340 {strides = array<i32>} : memref<32768xi32, #tpu.memory_space<vmem>>, vector<16xi32>,
        %shift_right_logical3A_345 = arith.constant 20 : i32
        %shift_right_logical3A_346 = vector.broadcast %shift_right_logical3A_345 : i32 to vector<16xi32>
        %shift_right_logical3A_347 = arith.shrui %xor3A_340, %shift_right_logical3A_346 : vector<16xi32>
        tpu.vector_store_idx %arg7[%shift_right_logical3A_347], %broadcast_in_dim3A_1 {add = true} : memref<4096xi32, #tpu.memory_space<vmem>>[vector<16xi32>], vector<16xi32>,
        %scan3A_348 = arith.constant 0 : i32
        %scan3A_349 = arith.constant 7 : i32
        %scan3A_350 = arith.addi %scan3A_184, %scan3A_349 : i32
        %mul3A_351 = arith.constant 16 : i32
        %mul3A_352 = arith.muli %scan3A_350, %mul3A_351 : i32
        %get3A_353 = arith.index_cast %mul3A_352 : i32 to index
        %get3A_354 = tpu.vector_load %arg5[%get3A_353] {strides = array<i32>} : memref<32768xf32, #tpu.memory_space<vmem>>, vector<16xf32>,
        %bitcast3A_355 = vector.bitcast %get3A_354 : vector<16xf32> to vector<16xi32>
        %bitcast3A_356 = vector.bitcast %get3A_354 : vector<16xf32> to vector<16xi32>
        %shift_right_arithmetic3A_357 = arith.constant 31 : i32
        %shift_right_arithmetic3A_358 = vector.broadcast %shift_right_arithmetic3A_357 : i32 to vector<16xi32>
        %shift_right_arithmetic3A_359 = arith.shrsi %bitcast3A_355, %shift_right_arithmetic3A_358 : vector<16xi32>
        %bitcast3A_360 = vector.bitcast %shift_right_arithmetic3A_359 : vector<16xi32> to vector<16xi32>
        %or3A_361 = arith.constant -2147483648 : i32
        %or3A_362 = vector.broadcast %or3A_361 : i32 to vector<16xi32>
        %or3A_363 = arith.ori %bitcast3A_360, %or3A_362 : vector<16xi32>
        %xor3A_364 = arith.xori %bitcast3A_356, %or3A_363 : vector<16xi32>
        %mul3A_365 = arith.constant 16 : i32
        %mul3A_366 = arith.muli %scan3A_350, %mul3A_365 : i32
        %swap3A_367 = arith.index_cast %mul3A_366 : i32 to index
        %swap3A_368 = tpu.vector_load %arg6[%swap3A_367] {strides = array<i32>} : memref<32768xi32, #tpu.memory_space<vmem>>, vector<16xi32>,
        tpu.vector_store %arg6[%swap3A_367], %xor3A_364 {strides = array<i32>} : memref<32768xi32, #tpu.memory_space<vmem>>, vector<16xi32>,
        %shift_right_logical3A_369 = arith.constant 20 : i32
        %shift_right_logical3A_370 = vector.broadcast %shift_right_logical3A_369 : i32 to vector<16xi32>
        %shift_right_logical3A_371 = arith.shrui %xor3A_364, %shift_right_logical3A_370 : vector<16xi32>
        tpu.vector_store_idx %arg7[%shift_right_logical3A_371], %broadcast_in_dim3A_1 {add = true} : memref<4096xi32, #tpu.memory_space<vmem>>[vector<16xi32>], vector<16xi32>,
        %scan3A_372 = arith.constant 0 : i32
        scf.yield %scan3A_372 : i32
      }
      %scan3A_79 = arith.constant 2048 : i32
      %broadcast_in_dim3A_80 = arith.constant 0 : i32
      %broadcast_in_dim3A_81 = vector.broadcast %broadcast_in_dim3A_80 : i32 to vector<16xi32>
      %scan3A_82 = arith.constant 0 : i32
      %scan3A_83 = arith.constant 0 : i32
      %scan3A_84 = arith.constant 256 : i32
      %scan3A_85 = arith.addi %scan3A_83, %scan3A_84 : i32
      %scan3A_86 = arith.constant 4 : i32
      %scan3A_87:3 = scf.for %scan3A_184 = %scan3A_83 to %scan3A_85 step %scan3A_86 iter_args(%scan3A_185 = %scan3A_82, %scan3A_186 = %broadcast_in_dim3A_81, %scan3A_187 = %broadcast_in_dim3A_81) -> (i32, vector<16xi32>, vector<16xi32>)  : i32 {
        %mul3A_188 = arith.constant 16 : i32
        %mul3A_189 = arith.muli %scan3A_184, %mul3A_188 : i32
        %get3A_190 = arith.index_cast %mul3A_189 : i32 to index
        %get3A_191 = tpu.vector_load %arg7[%get3A_190] {strides = array<i32>} : memref<4096xi32, #tpu.memory_space<vmem>>, vector<16xi32>,
        %broadcast_in_dim3A_192 = arith.constant true
        %broadcast_in_dim3A_193 = vector.broadcast %broadcast_in_dim3A_192 : i1 to vector<16xi1>
        %masked_cumsum3A = tpu.scan <sum>, %get3A_191 masked %broadcast_in_dim3A_193 : vector<16xi32>, vector<16xi1> -> vector<16xi32>
        %add3A_194 = vector.broadcast %scan3A_185 : i32 to vector<16xi32>
        %add3A_195 = arith.addi %add3A_194, %masked_cumsum3A : vector<16xi32>
        %le3A = vector.broadcast %min3A : i32 to vector<16xi32>
        %le3A_196 = arith.cmpi sle, %add3A_195, %le3A : vector<16xi32>
        %jit3A_197 = arith.constant 1 : i32
        %jit3A_198 = arith.constant 0 : i32
        %broadcast_in_dim3A_199 = vector.broadcast %jit3A_197 : i32 to vector<16xi32>
        %broadcast_in_dim3A_200 = vector.broadcast %jit3A_198 : i32 to vector<16xi32>
        %select_n3A_201 = arith.select %le3A_196, %broadcast_in_dim3A_199, %broadcast_in_dim3A_200 : vector<16xi1>, vector<16xi32>
        %add3A_202 = arith.addi %scan3A_186, %select_n3A_201 : vector<16xi32>
        %jit3A_203 = arith.constant 0 : i32
        %broadcast_in_dim3A_204 = vector.broadcast %jit3A_203 : i32 to vector<16xi32>
        %select_n3A_205 = arith.select %le3A_196, %get3A_191, %broadcast_in_dim3A_204 : vector<16xi1>, vector<16xi32>
        %add3A_206 = arith.addi %scan3A_187, %select_n3A_205 : vector<16xi32>
        %reduce_sum3A_207 = arith.constant true
        %reduce_sum3A_208 = vector.broadcast %reduce_sum3A_207 : i1 to vector<16xi1>
        %reduce_sum3A_209 = tpu.scan <sum>, %get3A_191 masked %reduce_sum3A_208 : vector<16xi32>, vector<16xi1> -> vector<16xi32>
        %reduce_sum3A_210 = vector.extract %reduce_sum3A_209[15] : i32 from vector<16xi32>
        %add3A_211 = arith.addi %scan3A_185, %reduce_sum3A_210 : i32
        %scan3A_212 = arith.constant 1 : i32
        %scan3A_213 = arith.addi %scan3A_184, %scan3A_212 : i32
        %mul3A_214 = arith.constant 16 : i32
        %mul3A_215 = arith.muli %scan3A_213, %mul3A_214 : i32
        %get3A_216 = arith.index_cast %mul3A_215 : i32 to index
        %get3A_217 = tpu.vector_load %arg7[%get3A_216] {strides = array<i32>} : memref<4096xi32, #tpu.memory_space<vmem>>, vector<16xi32>,
        %broadcast_in_dim3A_218 = arith.constant true
        %broadcast_in_dim3A_219 = vector.broadcast %broadcast_in_dim3A_218 : i1 to vector<16xi1>
        %masked_cumsum3A_220 = tpu.scan <sum>, %get3A_217 masked %broadcast_in_dim3A_219 : vector<16xi32>, vector<16xi1> -> vector<16xi32>
        %add3A_221 = vector.broadcast %add3A_211 : i32 to vector<16xi32>
        %add3A_222 = arith.addi %add3A_221, %masked_cumsum3A_220 : vector<16xi32>
        %le3A_223 = vector.broadcast %min3A : i32 to vector<16xi32>
        %le3A_224 = arith.cmpi sle, %add3A_222, %le3A_223 : vector<16xi32>
        %jit3A_225 = arith.constant 1 : i32
        %jit3A_226 = arith.constant 0 : i32
        %broadcast_in_dim3A_227 = vector.broadcast %jit3A_225 : i32 to vector<16xi32>
        %broadcast_in_dim3A_228 = vector.broadcast %jit3A_226 : i32 to vector<16xi32>
        %select_n3A_229 = arith.select %le3A_224, %broadcast_in_dim3A_227, %broadcast_in_dim3A_228 : vector<16xi1>, vector<16xi32>
        %add3A_230 = arith.addi %add3A_202, %select_n3A_229 : vector<16xi32>
        %jit3A_231 = arith.constant 0 : i32
        %broadcast_in_dim3A_232 = vector.broadcast %jit3A_231 : i32 to vector<16xi32>
        %select_n3A_233 = arith.select %le3A_224, %get3A_217, %broadcast_in_dim3A_232 : vector<16xi1>, vector<16xi32>
        %add3A_234 = arith.addi %add3A_206, %select_n3A_233 : vector<16xi32>
        %reduce_sum3A_235 = arith.constant true
        %reduce_sum3A_236 = vector.broadcast %reduce_sum3A_235 : i1 to vector<16xi1>
        %reduce_sum3A_237 = tpu.scan <sum>, %get3A_217 masked %reduce_sum3A_236 : vector<16xi32>, vector<16xi1> -> vector<16xi32>
        %reduce_sum3A_238 = vector.extract %reduce_sum3A_237[15] : i32 from vector<16xi32>
        %add3A_239 = arith.addi %add3A_211, %reduce_sum3A_238 : i32
        %scan3A_240 = arith.constant 2 : i32
        %scan3A_241 = arith.addi %scan3A_184, %scan3A_240 : i32
        %mul3A_242 = arith.constant 16 : i32
        %mul3A_243 = arith.muli %scan3A_241, %mul3A_242 : i32
        %get3A_244 = arith.index_cast %mul3A_243 : i32 to index
        %get3A_245 = tpu.vector_load %arg7[%get3A_244] {strides = array<i32>} : memref<4096xi32, #tpu.memory_space<vmem>>, vector<16xi32>,
        %broadcast_in_dim3A_246 = arith.constant true
        %broadcast_in_dim3A_247 = vector.broadcast %broadcast_in_dim3A_246 : i1 to vector<16xi1>
        %masked_cumsum3A_248 = tpu.scan <sum>, %get3A_245 masked %broadcast_in_dim3A_247 : vector<16xi32>, vector<16xi1> -> vector<16xi32>
        %add3A_249 = vector.broadcast %add3A_239 : i32 to vector<16xi32>
        %add3A_250 = arith.addi %add3A_249, %masked_cumsum3A_248 : vector<16xi32>
        %le3A_251 = vector.broadcast %min3A : i32 to vector<16xi32>
        %le3A_252 = arith.cmpi sle, %add3A_250, %le3A_251 : vector<16xi32>
        %jit3A_253 = arith.constant 1 : i32
        %jit3A_254 = arith.constant 0 : i32
        %broadcast_in_dim3A_255 = vector.broadcast %jit3A_253 : i32 to vector<16xi32>
        %broadcast_in_dim3A_256 = vector.broadcast %jit3A_254 : i32 to vector<16xi32>
        %select_n3A_257 = arith.select %le3A_252, %broadcast_in_dim3A_255, %broadcast_in_dim3A_256 : vector<16xi1>, vector<16xi32>
        %add3A_258 = arith.addi %add3A_230, %select_n3A_257 : vector<16xi32>
        %jit3A_259 = arith.constant 0 : i32
        %broadcast_in_dim3A_260 = vector.broadcast %jit3A_259 : i32 to vector<16xi32>
        %select_n3A_261 = arith.select %le3A_252, %get3A_245, %broadcast_in_dim3A_260 : vector<16xi1>, vector<16xi32>
        %add3A_262 = arith.addi %add3A_234, %select_n3A_261 : vector<16xi32>
        %reduce_sum3A_263 = arith.constant true
        %reduce_sum3A_264 = vector.broadcast %reduce_sum3A_263 : i1 to vector<16xi1>
        %reduce_sum3A_265 = tpu.scan <sum>, %get3A_245 masked %reduce_sum3A_264 : vector<16xi32>, vector<16xi1> -> vector<16xi32>
        %reduce_sum3A_266 = vector.extract %reduce_sum3A_265[15] : i32 from vector<16xi32>
        %add3A_267 = arith.addi %add3A_239, %reduce_sum3A_266 : i32
        %scan3A_268 = arith.constant 3 : i32
        %scan3A_269 = arith.addi %scan3A_184, %scan3A_268 : i32
        %mul3A_270 = arith.constant 16 : i32
        %mul3A_271 = arith.muli %scan3A_269, %mul3A_270 : i32
        %get3A_272 = arith.index_cast %mul3A_271 : i32 to index
        %get3A_273 = tpu.vector_load %arg7[%get3A_272] {strides = array<i32>} : memref<4096xi32, #tpu.memory_space<vmem>>, vector<16xi32>,
        %broadcast_in_dim3A_274 = arith.constant true
        %broadcast_in_dim3A_275 = vector.broadcast %broadcast_in_dim3A_274 : i1 to vector<16xi1>
        %masked_cumsum3A_276 = tpu.scan <sum>, %get3A_273 masked %broadcast_in_dim3A_275 : vector<16xi32>, vector<16xi1> -> vector<16xi32>
        %add3A_277 = vector.broadcast %add3A_267 : i32 to vector<16xi32>
        %add3A_278 = arith.addi %add3A_277, %masked_cumsum3A_276 : vector<16xi32>
        %le3A_279 = vector.broadcast %min3A : i32 to vector<16xi32>
        %le3A_280 = arith.cmpi sle, %add3A_278, %le3A_279 : vector<16xi32>
        %jit3A_281 = arith.constant 1 : i32
        %jit3A_282 = arith.constant 0 : i32
        %broadcast_in_dim3A_283 = vector.broadcast %jit3A_281 : i32 to vector<16xi32>
        %broadcast_in_dim3A_284 = vector.broadcast %jit3A_282 : i32 to vector<16xi32>
        %select_n3A_285 = arith.select %le3A_280, %broadcast_in_dim3A_283, %broadcast_in_dim3A_284 : vector<16xi1>, vector<16xi32>
        %add3A_286 = arith.addi %add3A_258, %select_n3A_285 : vector<16xi32>
        %jit3A_287 = arith.constant 0 : i32
        %broadcast_in_dim3A_288 = vector.broadcast %jit3A_287 : i32 to vector<16xi32>
        %select_n3A_289 = arith.select %le3A_280, %get3A_273, %broadcast_in_dim3A_288 : vector<16xi1>, vector<16xi32>
        %add3A_290 = arith.addi %add3A_262, %select_n3A_289 : vector<16xi32>
        %reduce_sum3A_291 = arith.constant true
        %reduce_sum3A_292 = vector.broadcast %reduce_sum3A_291 : i1 to vector<16xi1>
        %reduce_sum3A_293 = tpu.scan <sum>, %get3A_273 masked %reduce_sum3A_292 : vector<16xi32>, vector<16xi1> -> vector<16xi32>
        %reduce_sum3A_294 = vector.extract %reduce_sum3A_293[15] : i32 from vector<16xi32>
        %add3A_295 = arith.addi %add3A_267, %reduce_sum3A_294 : i32
        scf.yield %add3A_295, %add3A_286, %add3A_290 : i32, vector<16xi32>, vector<16xi32>
      }
      %scan3A_88 = arith.constant 256 : i32
      %reduce_sum3A_89 = arith.constant true
      %reduce_sum3A_90 = vector.broadcast %reduce_sum3A_89 : i1 to vector<16xi1>
      %reduce_sum3A_91 = tpu.scan <sum>, %scan3A_87#1 masked %reduce_sum3A_90 : vector<16xi32>, vector<16xi1> -> vector<16xi32>
      %reduce_sum3A_92 = vector.extract %reduce_sum3A_91[15] : i32 from vector<16xi32>
      %reduce_sum3A_93 = arith.constant true
      %reduce_sum3A_94 = vector.broadcast %reduce_sum3A_93 : i1 to vector<16xi1>
      %reduce_sum3A_95 = tpu.scan <sum>, %scan3A_87#2 masked %reduce_sum3A_94 : vector<16xi32>, vector<16xi1> -> vector<16xi32>
      %reduce_sum3A_96 = vector.extract %reduce_sum3A_95[15] : i32 from vector<16xi32>
      %sub3A_97 = arith.subi %min3A, %reduce_sum3A_96 : i32
      %scan3A_98 = arith.constant 0 : i32
      %scan3A_99 = arith.constant 0 : i32
      %scan3A_100 = arith.constant 256 : i32
      %scan3A_101 = arith.addi %scan3A_99, %scan3A_100 : i32
      %scan3A_102 = arith.constant 8 : i32
      %scan3A_103 = scf.for %scan3A_184 = %scan3A_99 to %scan3A_101 step %scan3A_102 iter_args(%scan3A_185 = %scan3A_98) -> (i32)  : i32 {
        %broadcast_in_dim3A_186 = arith.constant 0 : i32
        %broadcast_in_dim3A_187 = vector.broadcast %broadcast_in_dim3A_186 : i32 to vector<16xi32>
        %mul3A_188 = arith.constant 16 : i32
        %mul3A_189 = arith.muli %scan3A_184, %mul3A_188 : i32
        %swap3A = arith.index_cast %mul3A_189 : i32 to index
        %swap3A_190 = tpu.vector_load %arg7[%swap3A] {strides = array<i32>} : memref<4096xi32, #tpu.memory_space<vmem>>, vector<16xi32>,
        tpu.vector_store %arg7[%swap3A], %broadcast_in_dim3A_187 {strides = array<i32>} : memref<4096xi32, #tpu.memory_space<vmem>>, vector<16xi32>,
        %scan3A_191 = arith.constant 0 : i32
        %scan3A_192 = arith.constant 1 : i32
        %scan3A_193 = arith.addi %scan3A_184, %scan3A_192 : i32
        %broadcast_in_dim3A_194 = arith.constant 0 : i32
        %broadcast_in_dim3A_195 = vector.broadcast %broadcast_in_dim3A_194 : i32 to vector<16xi32>
        %mul3A_196 = arith.constant 16 : i32
        %mul3A_197 = arith.muli %scan3A_193, %mul3A_196 : i32
        %swap3A_198 = arith.index_cast %mul3A_197 : i32 to index
        %swap3A_199 = tpu.vector_load %arg7[%swap3A_198] {strides = array<i32>} : memref<4096xi32, #tpu.memory_space<vmem>>, vector<16xi32>,
        tpu.vector_store %arg7[%swap3A_198], %broadcast_in_dim3A_195 {strides = array<i32>} : memref<4096xi32, #tpu.memory_space<vmem>>, vector<16xi32>,
        %scan3A_200 = arith.constant 0 : i32
        %scan3A_201 = arith.constant 2 : i32
        %scan3A_202 = arith.addi %scan3A_184, %scan3A_201 : i32
        %broadcast_in_dim3A_203 = arith.constant 0 : i32
        %broadcast_in_dim3A_204 = vector.broadcast %broadcast_in_dim3A_203 : i32 to vector<16xi32>
        %mul3A_205 = arith.constant 16 : i32
        %mul3A_206 = arith.muli %scan3A_202, %mul3A_205 : i32
        %swap3A_207 = arith.index_cast %mul3A_206 : i32 to index
        %swap3A_208 = tpu.vector_load %arg7[%swap3A_207] {strides = array<i32>} : memref<4096xi32, #tpu.memory_space<vmem>>, vector<16xi32>,
        tpu.vector_store %arg7[%swap3A_207], %broadcast_in_dim3A_204 {strides = array<i32>} : memref<4096xi32, #tpu.memory_space<vmem>>, vector<16xi32>,
        %scan3A_209 = arith.constant 0 : i32
        %scan3A_210 = arith.constant 3 : i32
        %scan3A_211 = arith.addi %scan3A_184, %scan3A_210 : i32
        %broadcast_in_dim3A_212 = arith.constant 0 : i32
        %broadcast_in_dim3A_213 = vector.broadcast %broadcast_in_dim3A_212 : i32 to vector<16xi32>
        %mul3A_214 = arith.constant 16 : i32
        %mul3A_215 = arith.muli %scan3A_211, %mul3A_214 : i32
        %swap3A_216 = arith.index_cast %mul3A_215 : i32 to index
        %swap3A_217 = tpu.vector_load %arg7[%swap3A_216] {strides = array<i32>} : memref<4096xi32, #tpu.memory_space<vmem>>, vector<16xi32>,
        tpu.vector_store %arg7[%swap3A_216], %broadcast_in_dim3A_213 {strides = array<i32>} : memref<4096xi32, #tpu.memory_space<vmem>>, vector<16xi32>,
        %scan3A_218 = arith.constant 0 : i32
        %scan3A_219 = arith.constant 4 : i32
        %scan3A_220 = arith.addi %scan3A_184, %scan3A_219 : i32
        %broadcast_in_dim3A_221 = arith.constant 0 : i32
        %broadcast_in_dim3A_222 = vector.broadcast %broadcast_in_dim3A_221 : i32 to vector<16xi32>
        %mul3A_223 = arith.constant 16 : i32
        %mul3A_224 = arith.muli %scan3A_220, %mul3A_223 : i32
        %swap3A_225 = arith.index_cast %mul3A_224 : i32 to index
        %swap3A_226 = tpu.vector_load %arg7[%swap3A_225] {strides = array<i32>} : memref<4096xi32, #tpu.memory_space<vmem>>, vector<16xi32>,
        tpu.vector_store %arg7[%swap3A_225], %broadcast_in_dim3A_222 {strides = array<i32>} : memref<4096xi32, #tpu.memory_space<vmem>>, vector<16xi32>,
        %scan3A_227 = arith.constant 0 : i32
        %scan3A_228 = arith.constant 5 : i32
        %scan3A_229 = arith.addi %scan3A_184, %scan3A_228 : i32
        %broadcast_in_dim3A_230 = arith.constant 0 : i32
        %broadcast_in_dim3A_231 = vector.broadcast %broadcast_in_dim3A_230 : i32 to vector<16xi32>
        %mul3A_232 = arith.constant 16 : i32
        %mul3A_233 = arith.muli %scan3A_229, %mul3A_232 : i32
        %swap3A_234 = arith.index_cast %mul3A_233 : i32 to index
        %swap3A_235 = tpu.vector_load %arg7[%swap3A_234] {strides = array<i32>} : memref<4096xi32, #tpu.memory_space<vmem>>, vector<16xi32>,
        tpu.vector_store %arg7[%swap3A_234], %broadcast_in_dim3A_231 {strides = array<i32>} : memref<4096xi32, #tpu.memory_space<vmem>>, vector<16xi32>,
        %scan3A_236 = arith.constant 0 : i32
        %scan3A_237 = arith.constant 6 : i32
        %scan3A_238 = arith.addi %scan3A_184, %scan3A_237 : i32
        %broadcast_in_dim3A_239 = arith.constant 0 : i32
        %broadcast_in_dim3A_240 = vector.broadcast %broadcast_in_dim3A_239 : i32 to vector<16xi32>
        %mul3A_241 = arith.constant 16 : i32
        %mul3A_242 = arith.muli %scan3A_238, %mul3A_241 : i32
        %swap3A_243 = arith.index_cast %mul3A_242 : i32 to index
        %swap3A_244 = tpu.vector_load %arg7[%swap3A_243] {strides = array<i32>} : memref<4096xi32, #tpu.memory_space<vmem>>, vector<16xi32>,
        tpu.vector_store %arg7[%swap3A_243], %broadcast_in_dim3A_240 {strides = array<i32>} : memref<4096xi32, #tpu.memory_space<vmem>>, vector<16xi32>,
        %scan3A_245 = arith.constant 0 : i32
        %scan3A_246 = arith.constant 7 : i32
        %scan3A_247 = arith.addi %scan3A_184, %scan3A_246 : i32
        %broadcast_in_dim3A_248 = arith.constant 0 : i32
        %broadcast_in_dim3A_249 = vector.broadcast %broadcast_in_dim3A_248 : i32 to vector<16xi32>
        %mul3A_250 = arith.constant 16 : i32
        %mul3A_251 = arith.muli %scan3A_247, %mul3A_250 : i32
        %swap3A_252 = arith.index_cast %mul3A_251 : i32 to index
        %swap3A_253 = tpu.vector_load %arg7[%swap3A_252] {strides = array<i32>} : memref<4096xi32, #tpu.memory_space<vmem>>, vector<16xi32>,
        tpu.vector_store %arg7[%swap3A_252], %broadcast_in_dim3A_249 {strides = array<i32>} : memref<4096xi32, #tpu.memory_space<vmem>>, vector<16xi32>,
        %scan3A_254 = arith.constant 0 : i32
        scf.yield %scan3A_254 : i32
      }
      %scan3A_104 = arith.constant 256 : i32
      %scan3A_105 = arith.constant 0 : i32
      %scan3A_106 = arith.constant 0 : i32
      %scan3A_107 = arith.constant 2048 : i32
      %scan3A_108 = arith.addi %scan3A_106, %scan3A_107 : i32
      %scan3A_109 = arith.constant 8 : i32
      %scan3A_110 = scf.for %scan3A_184 = %scan3A_106 to %scan3A_108 step %scan3A_109 iter_args(%scan3A_185 = %scan3A_105) -> (i32)  : i32 {
        %mul3A_186 = arith.constant 16 : i32
        %mul3A_187 = arith.muli %scan3A_184, %mul3A_186 : i32
        %get3A_188 = arith.index_cast %mul3A_187 : i32 to index
        %get3A_189 = tpu.vector_load %arg6[%get3A_188] {strides = array<i32>} : memref<32768xi32, #tpu.memory_space<vmem>>, vector<16xi32>,
        %shift_right_logical3A = arith.constant 20 : i32
        %shift_right_logical3A_190 = vector.broadcast %shift_right_logical3A : i32 to vector<16xi32>
        %shift_right_logical3A_191 = arith.shrui %get3A_189, %shift_right_logical3A_190 : vector<16xi32>
        %eq3A_192 = vector.broadcast %reduce_sum3A_92 : i32 to vector<16xi32>
        %eq3A_193 = arith.cmpi eq, %shift_right_logical3A_191, %eq3A_192 : vector<16xi32>
        %shift_right_logical3A_194 = arith.constant 8 : i32
        %shift_right_logical3A_195 = vector.broadcast %shift_right_logical3A_194 : i32 to vector<16xi32>
        %shift_right_logical3A_196 = arith.shrui %get3A_189, %shift_right_logical3A_195 : vector<16xi32>
        %and3A_197 = arith.constant 4095 : i32
        %and3A_198 = vector.broadcast %and3A_197 : i32 to vector<16xi32>
        %and3A_199 = arith.andi %shift_right_logical3A_196, %and3A_198 : vector<16xi32>
        tpu.vector_store_idx %arg7[%and3A_199], %broadcast_in_dim3A_1 masked %eq3A_193 {add = true} : memref<4096xi32, #tpu.memory_space<vmem>>[vector<16xi32>], vector<16xi32>, vector<16xi1>
        %scan3A_200 = arith.constant 0 : i32
        %scan3A_201 = arith.constant 1 : i32
        %scan3A_202 = arith.addi %scan3A_184, %scan3A_201 : i32
        %mul3A_203 = arith.constant 16 : i32
        %mul3A_204 = arith.muli %scan3A_202, %mul3A_203 : i32
        %get3A_205 = arith.index_cast %mul3A_204 : i32 to index
        %get3A_206 = tpu.vector_load %arg6[%get3A_205] {strides = array<i32>} : memref<32768xi32, #tpu.memory_space<vmem>>, vector<16xi32>,
        %shift_right_logical3A_207 = arith.constant 20 : i32
        %shift_right_logical3A_208 = vector.broadcast %shift_right_logical3A_207 : i32 to vector<16xi32>
        %shift_right_logical3A_209 = arith.shrui %get3A_206, %shift_right_logical3A_208 : vector<16xi32>
        %eq3A_210 = vector.broadcast %reduce_sum3A_92 : i32 to vector<16xi32>
        %eq3A_211 = arith.cmpi eq, %shift_right_logical3A_209, %eq3A_210 : vector<16xi32>
        %shift_right_logical3A_212 = arith.constant 8 : i32
        %shift_right_logical3A_213 = vector.broadcast %shift_right_logical3A_212 : i32 to vector<16xi32>
        %shift_right_logical3A_214 = arith.shrui %get3A_206, %shift_right_logical3A_213 : vector<16xi32>
        %and3A_215 = arith.constant 4095 : i32
        %and3A_216 = vector.broadcast %and3A_215 : i32 to vector<16xi32>
        %and3A_217 = arith.andi %shift_right_logical3A_214, %and3A_216 : vector<16xi32>
        tpu.vector_store_idx %arg7[%and3A_217], %broadcast_in_dim3A_1 masked %eq3A_211 {add = true} : memref<4096xi32, #tpu.memory_space<vmem>>[vector<16xi32>], vector<16xi32>, vector<16xi1>
        %scan3A_218 = arith.constant 0 : i32
        %scan3A_219 = arith.constant 2 : i32
        %scan3A_220 = arith.addi %scan3A_184, %scan3A_219 : i32
        %mul3A_221 = arith.constant 16 : i32
        %mul3A_222 = arith.muli %scan3A_220, %mul3A_221 : i32
        %get3A_223 = arith.index_cast %mul3A_222 : i32 to index
        %get3A_224 = tpu.vector_load %arg6[%get3A_223] {strides = array<i32>} : memref<32768xi32, #tpu.memory_space<vmem>>, vector<16xi32>,
        %shift_right_logical3A_225 = arith.constant 20 : i32
        %shift_right_logical3A_226 = vector.broadcast %shift_right_logical3A_225 : i32 to vector<16xi32>
        %shift_right_logical3A_227 = arith.shrui %get3A_224, %shift_right_logical3A_226 : vector<16xi32>
        %eq3A_228 = vector.broadcast %reduce_sum3A_92 : i32 to vector<16xi32>
        %eq3A_229 = arith.cmpi eq, %shift_right_logical3A_227, %eq3A_228 : vector<16xi32>
        %shift_right_logical3A_230 = arith.constant 8 : i32
        %shift_right_logical3A_231 = vector.broadcast %shift_right_logical3A_230 : i32 to vector<16xi32>
        %shift_right_logical3A_232 = arith.shrui %get3A_224, %shift_right_logical3A_231 : vector<16xi32>
        %and3A_233 = arith.constant 4095 : i32
        %and3A_234 = vector.broadcast %and3A_233 : i32 to vector<16xi32>
        %and3A_235 = arith.andi %shift_right_logical3A_232, %and3A_234 : vector<16xi32>
        tpu.vector_store_idx %arg7[%and3A_235], %broadcast_in_dim3A_1 masked %eq3A_229 {add = true} : memref<4096xi32, #tpu.memory_space<vmem>>[vector<16xi32>], vector<16xi32>, vector<16xi1>
        %scan3A_236 = arith.constant 0 : i32
        %scan3A_237 = arith.constant 3 : i32
        %scan3A_238 = arith.addi %scan3A_184, %scan3A_237 : i32
        %mul3A_239 = arith.constant 16 : i32
        %mul3A_240 = arith.muli %scan3A_238, %mul3A_239 : i32
        %get3A_241 = arith.index_cast %mul3A_240 : i32 to index
        %get3A_242 = tpu.vector_load %arg6[%get3A_241] {strides = array<i32>} : memref<32768xi32, #tpu.memory_space<vmem>>, vector<16xi32>,
        %shift_right_logical3A_243 = arith.constant 20 : i32
        %shift_right_logical3A_244 = vector.broadcast %shift_right_logical3A_243 : i32 to vector<16xi32>
        %shift_right_logical3A_245 = arith.shrui %get3A_242, %shift_right_logical3A_244 : vector<16xi32>
        %eq3A_246 = vector.broadcast %reduce_sum3A_92 : i32 to vector<16xi32>
        %eq3A_247 = arith.cmpi eq, %shift_right_logical3A_245, %eq3A_246 : vector<16xi32>
        %shift_right_logical3A_248 = arith.constant 8 : i32
        %shift_right_logical3A_249 = vector.broadcast %shift_right_logical3A_248 : i32 to vector<16xi32>
        %shift_right_logical3A_250 = arith.shrui %get3A_242, %shift_right_logical3A_249 : vector<16xi32>
        %and3A_251 = arith.constant 4095 : i32
        %and3A_252 = vector.broadcast %and3A_251 : i32 to vector<16xi32>
        %and3A_253 = arith.andi %shift_right_logical3A_250, %and3A_252 : vector<16xi32>
        tpu.vector_store_idx %arg7[%and3A_253], %broadcast_in_dim3A_1 masked %eq3A_247 {add = true} : memref<4096xi32, #tpu.memory_space<vmem>>[vector<16xi32>], vector<16xi32>, vector<16xi1>
        %scan3A_254 = arith.constant 0 : i32
        %scan3A_255 = arith.constant 4 : i32
        %scan3A_256 = arith.addi %scan3A_184, %scan3A_255 : i32
        %mul3A_257 = arith.constant 16 : i32
        %mul3A_258 = arith.muli %scan3A_256, %mul3A_257 : i32
        %get3A_259 = arith.index_cast %mul3A_258 : i32 to index
        %get3A_260 = tpu.vector_load %arg6[%get3A_259] {strides = array<i32>} : memref<32768xi32, #tpu.memory_space<vmem>>, vector<16xi32>,
        %shift_right_logical3A_261 = arith.constant 20 : i32
        %shift_right_logical3A_262 = vector.broadcast %shift_right_logical3A_261 : i32 to vector<16xi32>
        %shift_right_logical3A_263 = arith.shrui %get3A_260, %shift_right_logical3A_262 : vector<16xi32>
        %eq3A_264 = vector.broadcast %reduce_sum3A_92 : i32 to vector<16xi32>
        %eq3A_265 = arith.cmpi eq, %shift_right_logical3A_263, %eq3A_264 : vector<16xi32>
        %shift_right_logical3A_266 = arith.constant 8 : i32
        %shift_right_logical3A_267 = vector.broadcast %shift_right_logical3A_266 : i32 to vector<16xi32>
        %shift_right_logical3A_268 = arith.shrui %get3A_260, %shift_right_logical3A_267 : vector<16xi32>
        %and3A_269 = arith.constant 4095 : i32
        %and3A_270 = vector.broadcast %and3A_269 : i32 to vector<16xi32>
        %and3A_271 = arith.andi %shift_right_logical3A_268, %and3A_270 : vector<16xi32>
        tpu.vector_store_idx %arg7[%and3A_271], %broadcast_in_dim3A_1 masked %eq3A_265 {add = true} : memref<4096xi32, #tpu.memory_space<vmem>>[vector<16xi32>], vector<16xi32>, vector<16xi1>
        %scan3A_272 = arith.constant 0 : i32
        %scan3A_273 = arith.constant 5 : i32
        %scan3A_274 = arith.addi %scan3A_184, %scan3A_273 : i32
        %mul3A_275 = arith.constant 16 : i32
        %mul3A_276 = arith.muli %scan3A_274, %mul3A_275 : i32
        %get3A_277 = arith.index_cast %mul3A_276 : i32 to index
        %get3A_278 = tpu.vector_load %arg6[%get3A_277] {strides = array<i32>} : memref<32768xi32, #tpu.memory_space<vmem>>, vector<16xi32>,
        %shift_right_logical3A_279 = arith.constant 20 : i32
        %shift_right_logical3A_280 = vector.broadcast %shift_right_logical3A_279 : i32 to vector<16xi32>
        %shift_right_logical3A_281 = arith.shrui %get3A_278, %shift_right_logical3A_280 : vector<16xi32>
        %eq3A_282 = vector.broadcast %reduce_sum3A_92 : i32 to vector<16xi32>
        %eq3A_283 = arith.cmpi eq, %shift_right_logical3A_281, %eq3A_282 : vector<16xi32>
        %shift_right_logical3A_284 = arith.constant 8 : i32
        %shift_right_logical3A_285 = vector.broadcast %shift_right_logical3A_284 : i32 to vector<16xi32>
        %shift_right_logical3A_286 = arith.shrui %get3A_278, %shift_right_logical3A_285 : vector<16xi32>
        %and3A_287 = arith.constant 4095 : i32
        %and3A_288 = vector.broadcast %and3A_287 : i32 to vector<16xi32>
        %and3A_289 = arith.andi %shift_right_logical3A_286, %and3A_288 : vector<16xi32>
        tpu.vector_store_idx %arg7[%and3A_289], %broadcast_in_dim3A_1 masked %eq3A_283 {add = true} : memref<4096xi32, #tpu.memory_space<vmem>>[vector<16xi32>], vector<16xi32>, vector<16xi1>
        %scan3A_290 = arith.constant 0 : i32
        %scan3A_291 = arith.constant 6 : i32
        %scan3A_292 = arith.addi %scan3A_184, %scan3A_291 : i32
        %mul3A_293 = arith.constant 16 : i32
        %mul3A_294 = arith.muli %scan3A_292, %mul3A_293 : i32
        %get3A_295 = arith.index_cast %mul3A_294 : i32 to index
        %get3A_296 = tpu.vector_load %arg6[%get3A_295] {strides = array<i32>} : memref<32768xi32, #tpu.memory_space<vmem>>, vector<16xi32>,
        %shift_right_logical3A_297 = arith.constant 20 : i32
        %shift_right_logical3A_298 = vector.broadcast %shift_right_logical3A_297 : i32 to vector<16xi32>
        %shift_right_logical3A_299 = arith.shrui %get3A_296, %shift_right_logical3A_298 : vector<16xi32>
        %eq3A_300 = vector.broadcast %reduce_sum3A_92 : i32 to vector<16xi32>
        %eq3A_301 = arith.cmpi eq, %shift_right_logical3A_299, %eq3A_300 : vector<16xi32>
        %shift_right_logical3A_302 = arith.constant 8 : i32
        %shift_right_logical3A_303 = vector.broadcast %shift_right_logical3A_302 : i32 to vector<16xi32>
        %shift_right_logical3A_304 = arith.shrui %get3A_296, %shift_right_logical3A_303 : vector<16xi32>
        %and3A_305 = arith.constant 4095 : i32
        %and3A_306 = vector.broadcast %and3A_305 : i32 to vector<16xi32>
        %and3A_307 = arith.andi %shift_right_logical3A_304, %and3A_306 : vector<16xi32>
        tpu.vector_store_idx %arg7[%and3A_307], %broadcast_in_dim3A_1 masked %eq3A_301 {add = true} : memref<4096xi32, #tpu.memory_space<vmem>>[vector<16xi32>], vector<16xi32>, vector<16xi1>
        %scan3A_308 = arith.constant 0 : i32
        %scan3A_309 = arith.constant 7 : i32
        %scan3A_310 = arith.addi %scan3A_184, %scan3A_309 : i32
        %mul3A_311 = arith.constant 16 : i32
        %mul3A_312 = arith.muli %scan3A_310, %mul3A_311 : i32
        %get3A_313 = arith.index_cast %mul3A_312 : i32 to index
        %get3A_314 = tpu.vector_load %arg6[%get3A_313] {strides = array<i32>} : memref<32768xi32, #tpu.memory_space<vmem>>, vector<16xi32>,
        %shift_right_logical3A_315 = arith.constant 20 : i32
        %shift_right_logical3A_316 = vector.broadcast %shift_right_logical3A_315 : i32 to vector<16xi32>
        %shift_right_logical3A_317 = arith.shrui %get3A_314, %shift_right_logical3A_316 : vector<16xi32>
        %eq3A_318 = vector.broadcast %reduce_sum3A_92 : i32 to vector<16xi32>
        %eq3A_319 = arith.cmpi eq, %shift_right_logical3A_317, %eq3A_318 : vector<16xi32>
        %shift_right_logical3A_320 = arith.constant 8 : i32
        %shift_right_logical3A_321 = vector.broadcast %shift_right_logical3A_320 : i32 to vector<16xi32>
        %shift_right_logical3A_322 = arith.shrui %get3A_314, %shift_right_logical3A_321 : vector<16xi32>
        %and3A_323 = arith.constant 4095 : i32
        %and3A_324 = vector.broadcast %and3A_323 : i32 to vector<16xi32>
        %and3A_325 = arith.andi %shift_right_logical3A_322, %and3A_324 : vector<16xi32>
        tpu.vector_store_idx %arg7[%and3A_325], %broadcast_in_dim3A_1 masked %eq3A_319 {add = true} : memref<4096xi32, #tpu.memory_space<vmem>>[vector<16xi32>], vector<16xi32>, vector<16xi1>
        %scan3A_326 = arith.constant 0 : i32
        scf.yield %scan3A_326 : i32
      }
      %scan3A_111 = arith.constant 2048 : i32
      %broadcast_in_dim3A_112 = arith.constant 0 : i32
      %broadcast_in_dim3A_113 = vector.broadcast %broadcast_in_dim3A_112 : i32 to vector<16xi32>
      %scan3A_114 = arith.constant 0 : i32
      %scan3A_115 = arith.constant 0 : i32
      %scan3A_116 = arith.constant 256 : i32
      %scan3A_117 = arith.addi %scan3A_115, %scan3A_116 : i32
      %scan3A_118 = arith.constant 4 : i32
      %scan3A_119:3 = scf.for %scan3A_184 = %scan3A_115 to %scan3A_117 step %scan3A_118 iter_args(%scan3A_185 = %scan3A_114, %scan3A_186 = %broadcast_in_dim3A_113, %scan3A_187 = %broadcast_in_dim3A_113) -> (i32, vector<16xi32>, vector<16xi32>)  : i32 {
        %mul3A_188 = arith.constant 16 : i32
        %mul3A_189 = arith.muli %scan3A_184, %mul3A_188 : i32
        %get3A_190 = arith.index_cast %mul3A_189 : i32 to index
        %get3A_191 = tpu.vector_load %arg7[%get3A_190] {strides = array<i32>} : memref<4096xi32, #tpu.memory_space<vmem>>, vector<16xi32>,
        %broadcast_in_dim3A_192 = arith.constant true
        %broadcast_in_dim3A_193 = vector.broadcast %broadcast_in_dim3A_192 : i1 to vector<16xi1>
        %masked_cumsum3A = tpu.scan <sum>, %get3A_191 masked %broadcast_in_dim3A_193 : vector<16xi32>, vector<16xi1> -> vector<16xi32>
        %add3A_194 = vector.broadcast %scan3A_185 : i32 to vector<16xi32>
        %add3A_195 = arith.addi %add3A_194, %masked_cumsum3A : vector<16xi32>
        %le3A = vector.broadcast %sub3A_97 : i32 to vector<16xi32>
        %le3A_196 = arith.cmpi sle, %add3A_195, %le3A : vector<16xi32>
        %jit3A_197 = arith.constant 1 : i32
        %jit3A_198 = arith.constant 0 : i32
        %broadcast_in_dim3A_199 = vector.broadcast %jit3A_197 : i32 to vector<16xi32>
        %broadcast_in_dim3A_200 = vector.broadcast %jit3A_198 : i32 to vector<16xi32>
        %select_n3A_201 = arith.select %le3A_196, %broadcast_in_dim3A_199, %broadcast_in_dim3A_200 : vector<16xi1>, vector<16xi32>
        %add3A_202 = arith.addi %scan3A_186, %select_n3A_201 : vector<16xi32>
        %jit3A_203 = arith.constant 0 : i32
        %broadcast_in_dim3A_204 = vector.broadcast %jit3A_203 : i32 to vector<16xi32>
        %select_n3A_205 = arith.select %le3A_196, %get3A_191, %broadcast_in_dim3A_204 : vector<16xi1>, vector<16xi32>
        %add3A_206 = arith.addi %scan3A_187, %select_n3A_205 : vector<16xi32>
        %reduce_sum3A_207 = arith.constant true
        %reduce_sum3A_208 = vector.broadcast %reduce_sum3A_207 : i1 to vector<16xi1>
        %reduce_sum3A_209 = tpu.scan <sum>, %get3A_191 masked %reduce_sum3A_208 : vector<16xi32>, vector<16xi1> -> vector<16xi32>
        %reduce_sum3A_210 = vector.extract %reduce_sum3A_209[15] : i32 from vector<16xi32>
        %add3A_211 = arith.addi %scan3A_185, %reduce_sum3A_210 : i32
        %scan3A_212 = arith.constant 1 : i32
        %scan3A_213 = arith.addi %scan3A_184, %scan3A_212 : i32
        %mul3A_214 = arith.constant 16 : i32
        %mul3A_215 = arith.muli %scan3A_213, %mul3A_214 : i32
        %get3A_216 = arith.index_cast %mul3A_215 : i32 to index
        %get3A_217 = tpu.vector_load %arg7[%get3A_216] {strides = array<i32>} : memref<4096xi32, #tpu.memory_space<vmem>>, vector<16xi32>,
        %broadcast_in_dim3A_218 = arith.constant true
        %broadcast_in_dim3A_219 = vector.broadcast %broadcast_in_dim3A_218 : i1 to vector<16xi1>
        %masked_cumsum3A_220 = tpu.scan <sum>, %get3A_217 masked %broadcast_in_dim3A_219 : vector<16xi32>, vector<16xi1> -> vector<16xi32>
        %add3A_221 = vector.broadcast %add3A_211 : i32 to vector<16xi32>
        %add3A_222 = arith.addi %add3A_221, %masked_cumsum3A_220 : vector<16xi32>
        %le3A_223 = vector.broadcast %sub3A_97 : i32 to vector<16xi32>
        %le3A_224 = arith.cmpi sle, %add3A_222, %le3A_223 : vector<16xi32>
        %jit3A_225 = arith.constant 1 : i32
        %jit3A_226 = arith.constant 0 : i32
        %broadcast_in_dim3A_227 = vector.broadcast %jit3A_225 : i32 to vector<16xi32>
        %broadcast_in_dim3A_228 = vector.broadcast %jit3A_226 : i32 to vector<16xi32>
        %select_n3A_229 = arith.select %le3A_224, %broadcast_in_dim3A_227, %broadcast_in_dim3A_228 : vector<16xi1>, vector<16xi32>
        %add3A_230 = arith.addi %add3A_202, %select_n3A_229 : vector<16xi32>
        %jit3A_231 = arith.constant 0 : i32
        %broadcast_in_dim3A_232 = vector.broadcast %jit3A_231 : i32 to vector<16xi32>
        %select_n3A_233 = arith.select %le3A_224, %get3A_217, %broadcast_in_dim3A_232 : vector<16xi1>, vector<16xi32>
        %add3A_234 = arith.addi %add3A_206, %select_n3A_233 : vector<16xi32>
        %reduce_sum3A_235 = arith.constant true
        %reduce_sum3A_236 = vector.broadcast %reduce_sum3A_235 : i1 to vector<16xi1>
        %reduce_sum3A_237 = tpu.scan <sum>, %get3A_217 masked %reduce_sum3A_236 : vector<16xi32>, vector<16xi1> -> vector<16xi32>
        %reduce_sum3A_238 = vector.extract %reduce_sum3A_237[15] : i32 from vector<16xi32>
        %add3A_239 = arith.addi %add3A_211, %reduce_sum3A_238 : i32
        %scan3A_240 = arith.constant 2 : i32
        %scan3A_241 = arith.addi %scan3A_184, %scan3A_240 : i32
        %mul3A_242 = arith.constant 16 : i32
        %mul3A_243 = arith.muli %scan3A_241, %mul3A_242 : i32
        %get3A_244 = arith.index_cast %mul3A_243 : i32 to index
        %get3A_245 = tpu.vector_load %arg7[%get3A_244] {strides = array<i32>} : memref<4096xi32, #tpu.memory_space<vmem>>, vector<16xi32>,
        %broadcast_in_dim3A_246 = arith.constant true
        %broadcast_in_dim3A_247 = vector.broadcast %broadcast_in_dim3A_246 : i1 to vector<16xi1>
        %masked_cumsum3A_248 = tpu.scan <sum>, %get3A_245 masked %broadcast_in_dim3A_247 : vector<16xi32>, vector<16xi1> -> vector<16xi32>
        %add3A_249 = vector.broadcast %add3A_239 : i32 to vector<16xi32>
        %add3A_250 = arith.addi %add3A_249, %masked_cumsum3A_248 : vector<16xi32>
        %le3A_251 = vector.broadcast %sub3A_97 : i32 to vector<16xi32>
        %le3A_252 = arith.cmpi sle, %add3A_250, %le3A_251 : vector<16xi32>
        %jit3A_253 = arith.constant 1 : i32
        %jit3A_254 = arith.constant 0 : i32
        %broadcast_in_dim3A_255 = vector.broadcast %jit3A_253 : i32 to vector<16xi32>
        %broadcast_in_dim3A_256 = vector.broadcast %jit3A_254 : i32 to vector<16xi32>
        %select_n3A_257 = arith.select %le3A_252, %broadcast_in_dim3A_255, %broadcast_in_dim3A_256 : vector<16xi1>, vector<16xi32>
        %add3A_258 = arith.addi %add3A_230, %select_n3A_257 : vector<16xi32>
        %jit3A_259 = arith.constant 0 : i32
        %broadcast_in_dim3A_260 = vector.broadcast %jit3A_259 : i32 to vector<16xi32>
        %select_n3A_261 = arith.select %le3A_252, %get3A_245, %broadcast_in_dim3A_260 : vector<16xi1>, vector<16xi32>
        %add3A_262 = arith.addi %add3A_234, %select_n3A_261 : vector<16xi32>
        %reduce_sum3A_263 = arith.constant true
        %reduce_sum3A_264 = vector.broadcast %reduce_sum3A_263 : i1 to vector<16xi1>
        %reduce_sum3A_265 = tpu.scan <sum>, %get3A_245 masked %reduce_sum3A_264 : vector<16xi32>, vector<16xi1> -> vector<16xi32>
        %reduce_sum3A_266 = vector.extract %reduce_sum3A_265[15] : i32 from vector<16xi32>
        %add3A_267 = arith.addi %add3A_239, %reduce_sum3A_266 : i32
        %scan3A_268 = arith.constant 3 : i32
        %scan3A_269 = arith.addi %scan3A_184, %scan3A_268 : i32
        %mul3A_270 = arith.constant 16 : i32
        %mul3A_271 = arith.muli %scan3A_269, %mul3A_270 : i32
        %get3A_272 = arith.index_cast %mul3A_271 : i32 to index
        %get3A_273 = tpu.vector_load %arg7[%get3A_272] {strides = array<i32>} : memref<4096xi32, #tpu.memory_space<vmem>>, vector<16xi32>,
        %broadcast_in_dim3A_274 = arith.constant true
        %broadcast_in_dim3A_275 = vector.broadcast %broadcast_in_dim3A_274 : i1 to vector<16xi1>
        %masked_cumsum3A_276 = tpu.scan <sum>, %get3A_273 masked %broadcast_in_dim3A_275 : vector<16xi32>, vector<16xi1> -> vector<16xi32>
        %add3A_277 = vector.broadcast %add3A_267 : i32 to vector<16xi32>
        %add3A_278 = arith.addi %add3A_277, %masked_cumsum3A_276 : vector<16xi32>
        %le3A_279 = vector.broadcast %sub3A_97 : i32 to vector<16xi32>
        %le3A_280 = arith.cmpi sle, %add3A_278, %le3A_279 : vector<16xi32>
        %jit3A_281 = arith.constant 1 : i32
        %jit3A_282 = arith.constant 0 : i32
        %broadcast_in_dim3A_283 = vector.broadcast %jit3A_281 : i32 to vector<16xi32>
        %broadcast_in_dim3A_284 = vector.broadcast %jit3A_282 : i32 to vector<16xi32>
        %select_n3A_285 = arith.select %le3A_280, %broadcast_in_dim3A_283, %broadcast_in_dim3A_284 : vector<16xi1>, vector<16xi32>
        %add3A_286 = arith.addi %add3A_258, %select_n3A_285 : vector<16xi32>
        %jit3A_287 = arith.constant 0 : i32
        %broadcast_in_dim3A_288 = vector.broadcast %jit3A_287 : i32 to vector<16xi32>
        %select_n3A_289 = arith.select %le3A_280, %get3A_273, %broadcast_in_dim3A_288 : vector<16xi1>, vector<16xi32>
        %add3A_290 = arith.addi %add3A_262, %select_n3A_289 : vector<16xi32>
        %reduce_sum3A_291 = arith.constant true
        %reduce_sum3A_292 = vector.broadcast %reduce_sum3A_291 : i1 to vector<16xi1>
        %reduce_sum3A_293 = tpu.scan <sum>, %get3A_273 masked %reduce_sum3A_292 : vector<16xi32>, vector<16xi1> -> vector<16xi32>
        %reduce_sum3A_294 = vector.extract %reduce_sum3A_293[15] : i32 from vector<16xi32>
        %add3A_295 = arith.addi %add3A_267, %reduce_sum3A_294 : i32
        scf.yield %add3A_295, %add3A_286, %add3A_290 : i32, vector<16xi32>, vector<16xi32>
      }
      %scan3A_120 = arith.constant 256 : i32
      %reduce_sum3A_121 = arith.constant true
      %reduce_sum3A_122 = vector.broadcast %reduce_sum3A_121 : i1 to vector<16xi1>
      %reduce_sum3A_123 = tpu.scan <sum>, %scan3A_119#1 masked %reduce_sum3A_122 : vector<16xi32>, vector<16xi1> -> vector<16xi32>
      %reduce_sum3A_124 = vector.extract %reduce_sum3A_123[15] : i32 from vector<16xi32>
      %reduce_sum3A_125 = arith.constant true
      %reduce_sum3A_126 = vector.broadcast %reduce_sum3A_125 : i1 to vector<16xi1>
      %reduce_sum3A_127 = tpu.scan <sum>, %scan3A_119#2 masked %reduce_sum3A_126 : vector<16xi32>, vector<16xi1> -> vector<16xi32>
      %reduce_sum3A_128 = vector.extract %reduce_sum3A_127[15] : i32 from vector<16xi32>
      %sub3A_129 = arith.subi %sub3A_97, %reduce_sum3A_128 : i32
      %shift_left3A = arith.constant 12 : i32
      %shift_left3A_130 = arith.shli %reduce_sum3A_92, %shift_left3A : i32
      %or3A = arith.ori %shift_left3A_130, %reduce_sum3A_124 : i32
      %scan3A_131 = arith.constant 0 : i32
      %scan3A_132 = arith.constant 0 : i32
      %scan3A_133 = arith.constant 16 : i32
      %scan3A_134 = arith.addi %scan3A_132, %scan3A_133 : i32
      %scan3A_135 = arith.constant 8 : i32
      %scan3A_136 = scf.for %scan3A_184 = %scan3A_132 to %scan3A_134 step %scan3A_135 iter_args(%scan3A_185 = %scan3A_131) -> (i32)  : i32 {
        %broadcast_in_dim3A_186 = arith.constant 0 : i32
        %broadcast_in_dim3A_187 = vector.broadcast %broadcast_in_dim3A_186 : i32 to vector<16xi32>
        %mul3A_188 = arith.constant 16 : i32
        %mul3A_189 = arith.muli %scan3A_184, %mul3A_188 : i32
        %swap3A = arith.index_cast %mul3A_189 : i32 to index
        %swap3A_190 = tpu.vector_load %arg7[%swap3A] {strides = array<i32>} : memref<4096xi32, #tpu.memory_space<vmem>>, vector<16xi32>,
        tpu.vector_store %arg7[%swap3A], %broadcast_in_dim3A_187 {strides = array<i32>} : memref<4096xi32, #tpu.memory_space<vmem>>, vector<16xi32>,
        %scan3A_191 = arith.constant 0 : i32
        %scan3A_192 = arith.constant 1 : i32
        %scan3A_193 = arith.addi %scan3A_184, %scan3A_192 : i32
        %broadcast_in_dim3A_194 = arith.constant 0 : i32
        %broadcast_in_dim3A_195 = vector.broadcast %broadcast_in_dim3A_194 : i32 to vector<16xi32>
        %mul3A_196 = arith.constant 16 : i32
        %mul3A_197 = arith.muli %scan3A_193, %mul3A_196 : i32
        %swap3A_198 = arith.index_cast %mul3A_197 : i32 to index
        %swap3A_199 = tpu.vector_load %arg7[%swap3A_198] {strides = array<i32>} : memref<4096xi32, #tpu.memory_space<vmem>>, vector<16xi32>,
        tpu.vector_store %arg7[%swap3A_198], %broadcast_in_dim3A_195 {strides = array<i32>} : memref<4096xi32, #tpu.memory_space<vmem>>, vector<16xi32>,
        %scan3A_200 = arith.constant 0 : i32
        %scan3A_201 = arith.constant 2 : i32
        %scan3A_202 = arith.addi %scan3A_184, %scan3A_201 : i32
        %broadcast_in_dim3A_203 = arith.constant 0 : i32
        %broadcast_in_dim3A_204 = vector.broadcast %broadcast_in_dim3A_203 : i32 to vector<16xi32>
        %mul3A_205 = arith.constant 16 : i32
        %mul3A_206 = arith.muli %scan3A_202, %mul3A_205 : i32
        %swap3A_207 = arith.index_cast %mul3A_206 : i32 to index
        %swap3A_208 = tpu.vector_load %arg7[%swap3A_207] {strides = array<i32>} : memref<4096xi32, #tpu.memory_space<vmem>>, vector<16xi32>,
        tpu.vector_store %arg7[%swap3A_207], %broadcast_in_dim3A_204 {strides = array<i32>} : memref<4096xi32, #tpu.memory_space<vmem>>, vector<16xi32>,
        %scan3A_209 = arith.constant 0 : i32
        %scan3A_210 = arith.constant 3 : i32
        %scan3A_211 = arith.addi %scan3A_184, %scan3A_210 : i32
        %broadcast_in_dim3A_212 = arith.constant 0 : i32
        %broadcast_in_dim3A_213 = vector.broadcast %broadcast_in_dim3A_212 : i32 to vector<16xi32>
        %mul3A_214 = arith.constant 16 : i32
        %mul3A_215 = arith.muli %scan3A_211, %mul3A_214 : i32
        %swap3A_216 = arith.index_cast %mul3A_215 : i32 to index
        %swap3A_217 = tpu.vector_load %arg7[%swap3A_216] {strides = array<i32>} : memref<4096xi32, #tpu.memory_space<vmem>>, vector<16xi32>,
        tpu.vector_store %arg7[%swap3A_216], %broadcast_in_dim3A_213 {strides = array<i32>} : memref<4096xi32, #tpu.memory_space<vmem>>, vector<16xi32>,
        %scan3A_218 = arith.constant 0 : i32
        %scan3A_219 = arith.constant 4 : i32
        %scan3A_220 = arith.addi %scan3A_184, %scan3A_219 : i32
        %broadcast_in_dim3A_221 = arith.constant 0 : i32
        %broadcast_in_dim3A_222 = vector.broadcast %broadcast_in_dim3A_221 : i32 to vector<16xi32>
        %mul3A_223 = arith.constant 16 : i32
        %mul3A_224 = arith.muli %scan3A_220, %mul3A_223 : i32
        %swap3A_225 = arith.index_cast %mul3A_224 : i32 to index
        %swap3A_226 = tpu.vector_load %arg7[%swap3A_225] {strides = array<i32>} : memref<4096xi32, #tpu.memory_space<vmem>>, vector<16xi32>,
        tpu.vector_store %arg7[%swap3A_225], %broadcast_in_dim3A_222 {strides = array<i32>} : memref<4096xi32, #tpu.memory_space<vmem>>, vector<16xi32>,
        %scan3A_227 = arith.constant 0 : i32
        %scan3A_228 = arith.constant 5 : i32
        %scan3A_229 = arith.addi %scan3A_184, %scan3A_228 : i32
        %broadcast_in_dim3A_230 = arith.constant 0 : i32
        %broadcast_in_dim3A_231 = vector.broadcast %broadcast_in_dim3A_230 : i32 to vector<16xi32>
        %mul3A_232 = arith.constant 16 : i32
        %mul3A_233 = arith.muli %scan3A_229, %mul3A_232 : i32
        %swap3A_234 = arith.index_cast %mul3A_233 : i32 to index
        %swap3A_235 = tpu.vector_load %arg7[%swap3A_234] {strides = array<i32>} : memref<4096xi32, #tpu.memory_space<vmem>>, vector<16xi32>,
        tpu.vector_store %arg7[%swap3A_234], %broadcast_in_dim3A_231 {strides = array<i32>} : memref<4096xi32, #tpu.memory_space<vmem>>, vector<16xi32>,
        %scan3A_236 = arith.constant 0 : i32
        %scan3A_237 = arith.constant 6 : i32
        %scan3A_238 = arith.addi %scan3A_184, %scan3A_237 : i32
        %broadcast_in_dim3A_239 = arith.constant 0 : i32
        %broadcast_in_dim3A_240 = vector.broadcast %broadcast_in_dim3A_239 : i32 to vector<16xi32>
        %mul3A_241 = arith.constant 16 : i32
        %mul3A_242 = arith.muli %scan3A_238, %mul3A_241 : i32
        %swap3A_243 = arith.index_cast %mul3A_242 : i32 to index
        %swap3A_244 = tpu.vector_load %arg7[%swap3A_243] {strides = array<i32>} : memref<4096xi32, #tpu.memory_space<vmem>>, vector<16xi32>,
        tpu.vector_store %arg7[%swap3A_243], %broadcast_in_dim3A_240 {strides = array<i32>} : memref<4096xi32, #tpu.memory_space<vmem>>, vector<16xi32>,
        %scan3A_245 = arith.constant 0 : i32
        %scan3A_246 = arith.constant 7 : i32
        %scan3A_247 = arith.addi %scan3A_184, %scan3A_246 : i32
        %broadcast_in_dim3A_248 = arith.constant 0 : i32
        %broadcast_in_dim3A_249 = vector.broadcast %broadcast_in_dim3A_248 : i32 to vector<16xi32>
        %mul3A_250 = arith.constant 16 : i32
        %mul3A_251 = arith.muli %scan3A_247, %mul3A_250 : i32
        %swap3A_252 = arith.index_cast %mul3A_251 : i32 to index
        %swap3A_253 = tpu.vector_load %arg7[%swap3A_252] {strides = array<i32>} : memref<4096xi32, #tpu.memory_space<vmem>>, vector<16xi32>,
        tpu.vector_store %arg7[%swap3A_252], %broadcast_in_dim3A_249 {strides = array<i32>} : memref<4096xi32, #tpu.memory_space<vmem>>, vector<16xi32>,
        %scan3A_254 = arith.constant 0 : i32
        scf.yield %scan3A_254 : i32
      }
      %scan3A_137 = arith.constant 16 : i32
      %scan3A_138 = arith.constant 0 : i32
      %scan3A_139 = arith.constant 0 : i32
      %scan3A_140 = arith.constant 2048 : i32
      %scan3A_141 = arith.addi %scan3A_139, %scan3A_140 : i32
      %scan3A_142 = arith.constant 8 : i32
      %scan3A_143 = scf.for %scan3A_184 = %scan3A_139 to %scan3A_141 step %scan3A_142 iter_args(%scan3A_185 = %scan3A_138) -> (i32)  : i32 {
        %mul3A_186 = arith.constant 16 : i32
        %mul3A_187 = arith.muli %scan3A_184, %mul3A_186 : i32
        %get3A_188 = arith.index_cast %mul3A_187 : i32 to index
        %get3A_189 = tpu.vector_load %arg6[%get3A_188] {strides = array<i32>} : memref<32768xi32, #tpu.memory_space<vmem>>, vector<16xi32>,
        %shift_right_logical3A = arith.constant 8 : i32
        %shift_right_logical3A_190 = vector.broadcast %shift_right_logical3A : i32 to vector<16xi32>
        %shift_right_logical3A_191 = arith.shrui %get3A_189, %shift_right_logical3A_190 : vector<16xi32>
        %eq3A_192 = vector.broadcast %or3A : i32 to vector<16xi32>
        %eq3A_193 = arith.cmpi eq, %shift_right_logical3A_191, %eq3A_192 : vector<16xi32>
        %and3A_194 = arith.constant 255 : i32
        %and3A_195 = vector.broadcast %and3A_194 : i32 to vector<16xi32>
        %and3A_196 = arith.andi %get3A_189, %and3A_195 : vector<16xi32>
        tpu.vector_store_idx %arg7[%and3A_196], %broadcast_in_dim3A_1 masked %eq3A_193 {add = true} : memref<4096xi32, #tpu.memory_space<vmem>>[vector<16xi32>], vector<16xi32>, vector<16xi1>
        %scan3A_197 = arith.constant 0 : i32
        %scan3A_198 = arith.constant 1 : i32
        %scan3A_199 = arith.addi %scan3A_184, %scan3A_198 : i32
        %mul3A_200 = arith.constant 16 : i32
        %mul3A_201 = arith.muli %scan3A_199, %mul3A_200 : i32
        %get3A_202 = arith.index_cast %mul3A_201 : i32 to index
        %get3A_203 = tpu.vector_load %arg6[%get3A_202] {strides = array<i32>} : memref<32768xi32, #tpu.memory_space<vmem>>, vector<16xi32>,
        %shift_right_logical3A_204 = arith.constant 8 : i32
        %shift_right_logical3A_205 = vector.broadcast %shift_right_logical3A_204 : i32 to vector<16xi32>
        %shift_right_logical3A_206 = arith.shrui %get3A_203, %shift_right_logical3A_205 : vector<16xi32>
        %eq3A_207 = vector.broadcast %or3A : i32 to vector<16xi32>
        %eq3A_208 = arith.cmpi eq, %shift_right_logical3A_206, %eq3A_207 : vector<16xi32>
        %and3A_209 = arith.constant 255 : i32
        %and3A_210 = vector.broadcast %and3A_209 : i32 to vector<16xi32>
        %and3A_211 = arith.andi %get3A_203, %and3A_210 : vector<16xi32>
        tpu.vector_store_idx %arg7[%and3A_211], %broadcast_in_dim3A_1 masked %eq3A_208 {add = true} : memref<4096xi32, #tpu.memory_space<vmem>>[vector<16xi32>], vector<16xi32>, vector<16xi1>
        %scan3A_212 = arith.constant 0 : i32
        %scan3A_213 = arith.constant 2 : i32
        %scan3A_214 = arith.addi %scan3A_184, %scan3A_213 : i32
        %mul3A_215 = arith.constant 16 : i32
        %mul3A_216 = arith.muli %scan3A_214, %mul3A_215 : i32
        %get3A_217 = arith.index_cast %mul3A_216 : i32 to index
        %get3A_218 = tpu.vector_load %arg6[%get3A_217] {strides = array<i32>} : memref<32768xi32, #tpu.memory_space<vmem>>, vector<16xi32>,
        %shift_right_logical3A_219 = arith.constant 8 : i32
        %shift_right_logical3A_220 = vector.broadcast %shift_right_logical3A_219 : i32 to vector<16xi32>
        %shift_right_logical3A_221 = arith.shrui %get3A_218, %shift_right_logical3A_220 : vector<16xi32>
        %eq3A_222 = vector.broadcast %or3A : i32 to vector<16xi32>
        %eq3A_223 = arith.cmpi eq, %shift_right_logical3A_221, %eq3A_222 : vector<16xi32>
        %and3A_224 = arith.constant 255 : i32
        %and3A_225 = vector.broadcast %and3A_224 : i32 to vector<16xi32>
        %and3A_226 = arith.andi %get3A_218, %and3A_225 : vector<16xi32>
        tpu.vector_store_idx %arg7[%and3A_226], %broadcast_in_dim3A_1 masked %eq3A_223 {add = true} : memref<4096xi32, #tpu.memory_space<vmem>>[vector<16xi32>], vector<16xi32>, vector<16xi1>
        %scan3A_227 = arith.constant 0 : i32
        %scan3A_228 = arith.constant 3 : i32
        %scan3A_229 = arith.addi %scan3A_184, %scan3A_228 : i32
        %mul3A_230 = arith.constant 16 : i32
        %mul3A_231 = arith.muli %scan3A_229, %mul3A_230 : i32
        %get3A_232 = arith.index_cast %mul3A_231 : i32 to index
        %get3A_233 = tpu.vector_load %arg6[%get3A_232] {strides = array<i32>} : memref<32768xi32, #tpu.memory_space<vmem>>, vector<16xi32>,
        %shift_right_logical3A_234 = arith.constant 8 : i32
        %shift_right_logical3A_235 = vector.broadcast %shift_right_logical3A_234 : i32 to vector<16xi32>
        %shift_right_logical3A_236 = arith.shrui %get3A_233, %shift_right_logical3A_235 : vector<16xi32>
        %eq3A_237 = vector.broadcast %or3A : i32 to vector<16xi32>
        %eq3A_238 = arith.cmpi eq, %shift_right_logical3A_236, %eq3A_237 : vector<16xi32>
        %and3A_239 = arith.constant 255 : i32
        %and3A_240 = vector.broadcast %and3A_239 : i32 to vector<16xi32>
        %and3A_241 = arith.andi %get3A_233, %and3A_240 : vector<16xi32>
        tpu.vector_store_idx %arg7[%and3A_241], %broadcast_in_dim3A_1 masked %eq3A_238 {add = true} : memref<4096xi32, #tpu.memory_space<vmem>>[vector<16xi32>], vector<16xi32>, vector<16xi1>
        %scan3A_242 = arith.constant 0 : i32
        %scan3A_243 = arith.constant 4 : i32
        %scan3A_244 = arith.addi %scan3A_184, %scan3A_243 : i32
        %mul3A_245 = arith.constant 16 : i32
        %mul3A_246 = arith.muli %scan3A_244, %mul3A_245 : i32
        %get3A_247 = arith.index_cast %mul3A_246 : i32 to index
        %get3A_248 = tpu.vector_load %arg6[%get3A_247] {strides = array<i32>} : memref<32768xi32, #tpu.memory_space<vmem>>, vector<16xi32>,
        %shift_right_logical3A_249 = arith.constant 8 : i32
        %shift_right_logical3A_250 = vector.broadcast %shift_right_logical3A_249 : i32 to vector<16xi32>
        %shift_right_logical3A_251 = arith.shrui %get3A_248, %shift_right_logical3A_250 : vector<16xi32>
        %eq3A_252 = vector.broadcast %or3A : i32 to vector<16xi32>
        %eq3A_253 = arith.cmpi eq, %shift_right_logical3A_251, %eq3A_252 : vector<16xi32>
        %and3A_254 = arith.constant 255 : i32
        %and3A_255 = vector.broadcast %and3A_254 : i32 to vector<16xi32>
        %and3A_256 = arith.andi %get3A_248, %and3A_255 : vector<16xi32>
        tpu.vector_store_idx %arg7[%and3A_256], %broadcast_in_dim3A_1 masked %eq3A_253 {add = true} : memref<4096xi32, #tpu.memory_space<vmem>>[vector<16xi32>], vector<16xi32>, vector<16xi1>
        %scan3A_257 = arith.constant 0 : i32
        %scan3A_258 = arith.constant 5 : i32
        %scan3A_259 = arith.addi %scan3A_184, %scan3A_258 : i32
        %mul3A_260 = arith.constant 16 : i32
        %mul3A_261 = arith.muli %scan3A_259, %mul3A_260 : i32
        %get3A_262 = arith.index_cast %mul3A_261 : i32 to index
        %get3A_263 = tpu.vector_load %arg6[%get3A_262] {strides = array<i32>} : memref<32768xi32, #tpu.memory_space<vmem>>, vector<16xi32>,
        %shift_right_logical3A_264 = arith.constant 8 : i32
        %shift_right_logical3A_265 = vector.broadcast %shift_right_logical3A_264 : i32 to vector<16xi32>
        %shift_right_logical3A_266 = arith.shrui %get3A_263, %shift_right_logical3A_265 : vector<16xi32>
        %eq3A_267 = vector.broadcast %or3A : i32 to vector<16xi32>
        %eq3A_268 = arith.cmpi eq, %shift_right_logical3A_266, %eq3A_267 : vector<16xi32>
        %and3A_269 = arith.constant 255 : i32
        %and3A_270 = vector.broadcast %and3A_269 : i32 to vector<16xi32>
        %and3A_271 = arith.andi %get3A_263, %and3A_270 : vector<16xi32>
        tpu.vector_store_idx %arg7[%and3A_271], %broadcast_in_dim3A_1 masked %eq3A_268 {add = true} : memref<4096xi32, #tpu.memory_space<vmem>>[vector<16xi32>], vector<16xi32>, vector<16xi1>
        %scan3A_272 = arith.constant 0 : i32
        %scan3A_273 = arith.constant 6 : i32
        %scan3A_274 = arith.addi %scan3A_184, %scan3A_273 : i32
        %mul3A_275 = arith.constant 16 : i32
        %mul3A_276 = arith.muli %scan3A_274, %mul3A_275 : i32
        %get3A_277 = arith.index_cast %mul3A_276 : i32 to index
        %get3A_278 = tpu.vector_load %arg6[%get3A_277] {strides = array<i32>} : memref<32768xi32, #tpu.memory_space<vmem>>, vector<16xi32>,
        %shift_right_logical3A_279 = arith.constant 8 : i32
        %shift_right_logical3A_280 = vector.broadcast %shift_right_logical3A_279 : i32 to vector<16xi32>
        %shift_right_logical3A_281 = arith.shrui %get3A_278, %shift_right_logical3A_280 : vector<16xi32>
        %eq3A_282 = vector.broadcast %or3A : i32 to vector<16xi32>
        %eq3A_283 = arith.cmpi eq, %shift_right_logical3A_281, %eq3A_282 : vector<16xi32>
        %and3A_284 = arith.constant 255 : i32
        %and3A_285 = vector.broadcast %and3A_284 : i32 to vector<16xi32>
        %and3A_286 = arith.andi %get3A_278, %and3A_285 : vector<16xi32>
        tpu.vector_store_idx %arg7[%and3A_286], %broadcast_in_dim3A_1 masked %eq3A_283 {add = true} : memref<4096xi32, #tpu.memory_space<vmem>>[vector<16xi32>], vector<16xi32>, vector<16xi1>
        %scan3A_287 = arith.constant 0 : i32
        %scan3A_288 = arith.constant 7 : i32
        %scan3A_289 = arith.addi %scan3A_184, %scan3A_288 : i32
        %mul3A_290 = arith.constant 16 : i32
        %mul3A_291 = arith.muli %scan3A_289, %mul3A_290 : i32
        %get3A_292 = arith.index_cast %mul3A_291 : i32 to index
        %get3A_293 = tpu.vector_load %arg6[%get3A_292] {strides = array<i32>} : memref<32768xi32, #tpu.memory_space<vmem>>, vector<16xi32>,
        %shift_right_logical3A_294 = arith.constant 8 : i32
        %shift_right_logical3A_295 = vector.broadcast %shift_right_logical3A_294 : i32 to vector<16xi32>
        %shift_right_logical3A_296 = arith.shrui %get3A_293, %shift_right_logical3A_295 : vector<16xi32>
        %eq3A_297 = vector.broadcast %or3A : i32 to vector<16xi32>
        %eq3A_298 = arith.cmpi eq, %shift_right_logical3A_296, %eq3A_297 : vector<16xi32>
        %and3A_299 = arith.constant 255 : i32
        %and3A_300 = vector.broadcast %and3A_299 : i32 to vector<16xi32>
        %and3A_301 = arith.andi %get3A_293, %and3A_300 : vector<16xi32>
        tpu.vector_store_idx %arg7[%and3A_301], %broadcast_in_dim3A_1 masked %eq3A_298 {add = true} : memref<4096xi32, #tpu.memory_space<vmem>>[vector<16xi32>], vector<16xi32>, vector<16xi1>
        %scan3A_302 = arith.constant 0 : i32
        scf.yield %scan3A_302 : i32
      }
      %scan3A_144 = arith.constant 2048 : i32
      %broadcast_in_dim3A_145 = arith.constant 0 : i32
      %broadcast_in_dim3A_146 = vector.broadcast %broadcast_in_dim3A_145 : i32 to vector<16xi32>
      %scan3A_147 = arith.constant 0 : i32
      %scan3A_148 = arith.constant 0 : i32
      %scan3A_149 = arith.constant 16 : i32
      %scan3A_150 = arith.addi %scan3A_148, %scan3A_149 : i32
      %scan3A_151 = arith.constant 4 : i32
      %scan3A_152:3 = scf.for %scan3A_184 = %scan3A_148 to %scan3A_150 step %scan3A_151 iter_args(%scan3A_185 = %scan3A_147, %scan3A_186 = %broadcast_in_dim3A_146, %scan3A_187 = %broadcast_in_dim3A_146) -> (i32, vector<16xi32>, vector<16xi32>)  : i32 {
        %mul3A_188 = arith.constant 16 : i32
        %mul3A_189 = arith.muli %scan3A_184, %mul3A_188 : i32
        %get3A_190 = arith.index_cast %mul3A_189 : i32 to index
        %get3A_191 = tpu.vector_load %arg7[%get3A_190] {strides = array<i32>} : memref<4096xi32, #tpu.memory_space<vmem>>, vector<16xi32>,
        %broadcast_in_dim3A_192 = arith.constant true
        %broadcast_in_dim3A_193 = vector.broadcast %broadcast_in_dim3A_192 : i1 to vector<16xi1>
        %masked_cumsum3A = tpu.scan <sum>, %get3A_191 masked %broadcast_in_dim3A_193 : vector<16xi32>, vector<16xi1> -> vector<16xi32>
        %add3A_194 = vector.broadcast %scan3A_185 : i32 to vector<16xi32>
        %add3A_195 = arith.addi %add3A_194, %masked_cumsum3A : vector<16xi32>
        %le3A = vector.broadcast %sub3A_129 : i32 to vector<16xi32>
        %le3A_196 = arith.cmpi sle, %add3A_195, %le3A : vector<16xi32>
        %jit3A_197 = arith.constant 1 : i32
        %jit3A_198 = arith.constant 0 : i32
        %broadcast_in_dim3A_199 = vector.broadcast %jit3A_197 : i32 to vector<16xi32>
        %broadcast_in_dim3A_200 = vector.broadcast %jit3A_198 : i32 to vector<16xi32>
        %select_n3A_201 = arith.select %le3A_196, %broadcast_in_dim3A_199, %broadcast_in_dim3A_200 : vector<16xi1>, vector<16xi32>
        %add3A_202 = arith.addi %scan3A_186, %select_n3A_201 : vector<16xi32>
        %jit3A_203 = arith.constant 0 : i32
        %broadcast_in_dim3A_204 = vector.broadcast %jit3A_203 : i32 to vector<16xi32>
        %select_n3A_205 = arith.select %le3A_196, %get3A_191, %broadcast_in_dim3A_204 : vector<16xi1>, vector<16xi32>
        %add3A_206 = arith.addi %scan3A_187, %select_n3A_205 : vector<16xi32>
        %reduce_sum3A_207 = arith.constant true
        %reduce_sum3A_208 = vector.broadcast %reduce_sum3A_207 : i1 to vector<16xi1>
        %reduce_sum3A_209 = tpu.scan <sum>, %get3A_191 masked %reduce_sum3A_208 : vector<16xi32>, vector<16xi1> -> vector<16xi32>
        %reduce_sum3A_210 = vector.extract %reduce_sum3A_209[15] : i32 from vector<16xi32>
        %add3A_211 = arith.addi %scan3A_185, %reduce_sum3A_210 : i32
        %scan3A_212 = arith.constant 1 : i32
        %scan3A_213 = arith.addi %scan3A_184, %scan3A_212 : i32
        %mul3A_214 = arith.constant 16 : i32
        %mul3A_215 = arith.muli %scan3A_213, %mul3A_214 : i32
        %get3A_216 = arith.index_cast %mul3A_215 : i32 to index
        %get3A_217 = tpu.vector_load %arg7[%get3A_216] {strides = array<i32>} : memref<4096xi32, #tpu.memory_space<vmem>>, vector<16xi32>,
        %broadcast_in_dim3A_218 = arith.constant true
        %broadcast_in_dim3A_219 = vector.broadcast %broadcast_in_dim3A_218 : i1 to vector<16xi1>
        %masked_cumsum3A_220 = tpu.scan <sum>, %get3A_217 masked %broadcast_in_dim3A_219 : vector<16xi32>, vector<16xi1> -> vector<16xi32>
        %add3A_221 = vector.broadcast %add3A_211 : i32 to vector<16xi32>
        %add3A_222 = arith.addi %add3A_221, %masked_cumsum3A_220 : vector<16xi32>
        %le3A_223 = vector.broadcast %sub3A_129 : i32 to vector<16xi32>
        %le3A_224 = arith.cmpi sle, %add3A_222, %le3A_223 : vector<16xi32>
        %jit3A_225 = arith.constant 1 : i32
        %jit3A_226 = arith.constant 0 : i32
        %broadcast_in_dim3A_227 = vector.broadcast %jit3A_225 : i32 to vector<16xi32>
        %broadcast_in_dim3A_228 = vector.broadcast %jit3A_226 : i32 to vector<16xi32>
        %select_n3A_229 = arith.select %le3A_224, %broadcast_in_dim3A_227, %broadcast_in_dim3A_228 : vector<16xi1>, vector<16xi32>
        %add3A_230 = arith.addi %add3A_202, %select_n3A_229 : vector<16xi32>
        %jit3A_231 = arith.constant 0 : i32
        %broadcast_in_dim3A_232 = vector.broadcast %jit3A_231 : i32 to vector<16xi32>
        %select_n3A_233 = arith.select %le3A_224, %get3A_217, %broadcast_in_dim3A_232 : vector<16xi1>, vector<16xi32>
        %add3A_234 = arith.addi %add3A_206, %select_n3A_233 : vector<16xi32>
        %reduce_sum3A_235 = arith.constant true
        %reduce_sum3A_236 = vector.broadcast %reduce_sum3A_235 : i1 to vector<16xi1>
        %reduce_sum3A_237 = tpu.scan <sum>, %get3A_217 masked %reduce_sum3A_236 : vector<16xi32>, vector<16xi1> -> vector<16xi32>
        %reduce_sum3A_238 = vector.extract %reduce_sum3A_237[15] : i32 from vector<16xi32>
        %add3A_239 = arith.addi %add3A_211, %reduce_sum3A_238 : i32
        %scan3A_240 = arith.constant 2 : i32
        %scan3A_241 = arith.addi %scan3A_184, %scan3A_240 : i32
        %mul3A_242 = arith.constant 16 : i32
        %mul3A_243 = arith.muli %scan3A_241, %mul3A_242 : i32
        %get3A_244 = arith.index_cast %mul3A_243 : i32 to index
        %get3A_245 = tpu.vector_load %arg7[%get3A_244] {strides = array<i32>} : memref<4096xi32, #tpu.memory_space<vmem>>, vector<16xi32>,
        %broadcast_in_dim3A_246 = arith.constant true
        %broadcast_in_dim3A_247 = vector.broadcast %broadcast_in_dim3A_246 : i1 to vector<16xi1>
        %masked_cumsum3A_248 = tpu.scan <sum>, %get3A_245 masked %broadcast_in_dim3A_247 : vector<16xi32>, vector<16xi1> -> vector<16xi32>
        %add3A_249 = vector.broadcast %add3A_239 : i32 to vector<16xi32>
        %add3A_250 = arith.addi %add3A_249, %masked_cumsum3A_248 : vector<16xi32>
        %le3A_251 = vector.broadcast %sub3A_129 : i32 to vector<16xi32>
        %le3A_252 = arith.cmpi sle, %add3A_250, %le3A_251 : vector<16xi32>
        %jit3A_253 = arith.constant 1 : i32
        %jit3A_254 = arith.constant 0 : i32
        %broadcast_in_dim3A_255 = vector.broadcast %jit3A_253 : i32 to vector<16xi32>
        %broadcast_in_dim3A_256 = vector.broadcast %jit3A_254 : i32 to vector<16xi32>
        %select_n3A_257 = arith.select %le3A_252, %broadcast_in_dim3A_255, %broadcast_in_dim3A_256 : vector<16xi1>, vector<16xi32>
        %add3A_258 = arith.addi %add3A_230, %select_n3A_257 : vector<16xi32>
        %jit3A_259 = arith.constant 0 : i32
        %broadcast_in_dim3A_260 = vector.broadcast %jit3A_259 : i32 to vector<16xi32>
        %select_n3A_261 = arith.select %le3A_252, %get3A_245, %broadcast_in_dim3A_260 : vector<16xi1>, vector<16xi32>
        %add3A_262 = arith.addi %add3A_234, %select_n3A_261 : vector<16xi32>
        %reduce_sum3A_263 = arith.constant true
        %reduce_sum3A_264 = vector.broadcast %reduce_sum3A_263 : i1 to vector<16xi1>
        %reduce_sum3A_265 = tpu.scan <sum>, %get3A_245 masked %reduce_sum3A_264 : vector<16xi32>, vector<16xi1> -> vector<16xi32>
        %reduce_sum3A_266 = vector.extract %reduce_sum3A_265[15] : i32 from vector<16xi32>
        %add3A_267 = arith.addi %add3A_239, %reduce_sum3A_266 : i32
        %scan3A_268 = arith.constant 3 : i32
        %scan3A_269 = arith.addi %scan3A_184, %scan3A_268 : i32
        %mul3A_270 = arith.constant 16 : i32
        %mul3A_271 = arith.muli %scan3A_269, %mul3A_270 : i32
        %get3A_272 = arith.index_cast %mul3A_271 : i32 to index
        %get3A_273 = tpu.vector_load %arg7[%get3A_272] {strides = array<i32>} : memref<4096xi32, #tpu.memory_space<vmem>>, vector<16xi32>,
        %broadcast_in_dim3A_274 = arith.constant true
        %broadcast_in_dim3A_275 = vector.broadcast %broadcast_in_dim3A_274 : i1 to vector<16xi1>
        %masked_cumsum3A_276 = tpu.scan <sum>, %get3A_273 masked %broadcast_in_dim3A_275 : vector<16xi32>, vector<16xi1> -> vector<16xi32>
        %add3A_277 = vector.broadcast %add3A_267 : i32 to vector<16xi32>
        %add3A_278 = arith.addi %add3A_277, %masked_cumsum3A_276 : vector<16xi32>
        %le3A_279 = vector.broadcast %sub3A_129 : i32 to vector<16xi32>
        %le3A_280 = arith.cmpi sle, %add3A_278, %le3A_279 : vector<16xi32>
        %jit3A_281 = arith.constant 1 : i32
        %jit3A_282 = arith.constant 0 : i32
        %broadcast_in_dim3A_283 = vector.broadcast %jit3A_281 : i32 to vector<16xi32>
        %broadcast_in_dim3A_284 = vector.broadcast %jit3A_282 : i32 to vector<16xi32>
        %select_n3A_285 = arith.select %le3A_280, %broadcast_in_dim3A_283, %broadcast_in_dim3A_284 : vector<16xi1>, vector<16xi32>
        %add3A_286 = arith.addi %add3A_258, %select_n3A_285 : vector<16xi32>
        %jit3A_287 = arith.constant 0 : i32
        %broadcast_in_dim3A_288 = vector.broadcast %jit3A_287 : i32 to vector<16xi32>
        %select_n3A_289 = arith.select %le3A_280, %get3A_273, %broadcast_in_dim3A_288 : vector<16xi1>, vector<16xi32>
        %add3A_290 = arith.addi %add3A_262, %select_n3A_289 : vector<16xi32>
        %reduce_sum3A_291 = arith.constant true
        %reduce_sum3A_292 = vector.broadcast %reduce_sum3A_291 : i1 to vector<16xi1>
        %reduce_sum3A_293 = tpu.scan <sum>, %get3A_273 masked %reduce_sum3A_292 : vector<16xi32>, vector<16xi1> -> vector<16xi32>
        %reduce_sum3A_294 = vector.extract %reduce_sum3A_293[15] : i32 from vector<16xi32>
        %add3A_295 = arith.addi %add3A_267, %reduce_sum3A_294 : i32
        scf.yield %add3A_295, %add3A_286, %add3A_290 : i32, vector<16xi32>, vector<16xi32>
      }
      %scan3A_153 = arith.constant 16 : i32
      %reduce_sum3A_154 = arith.constant true
      %reduce_sum3A_155 = vector.broadcast %reduce_sum3A_154 : i1 to vector<16xi1>
      %reduce_sum3A_156 = tpu.scan <sum>, %scan3A_152#1 masked %reduce_sum3A_155 : vector<16xi32>, vector<16xi1> -> vector<16xi32>
      %reduce_sum3A_157 = vector.extract %reduce_sum3A_156[15] : i32 from vector<16xi32>
      %reduce_sum3A_158 = arith.constant true
      %reduce_sum3A_159 = vector.broadcast %reduce_sum3A_158 : i1 to vector<16xi1>
      %reduce_sum3A_160 = tpu.scan <sum>, %scan3A_152#2 masked %reduce_sum3A_159 : vector<16xi32>, vector<16xi1> -> vector<16xi32>
      %reduce_sum3A_161 = vector.extract %reduce_sum3A_160[15] : i32 from vector<16xi32>
      %shift_left3A_162 = arith.constant 8 : i32
      %shift_left3A_163 = arith.shli %or3A, %shift_left3A_162 : i32
      %or3A_164 = arith.ori %shift_left3A_163, %reduce_sum3A_157 : i32
      %broadcast_in_dim3A_165 = arith.constant 0 : i32
      %broadcast_in_dim3A_166 = vector.broadcast %broadcast_in_dim3A_165 : i32 to vector<16xi32>
      %add3A_167 = vector.broadcast %or3A_164 : i32 to vector<16xi32>
      %add3A_168 = arith.addi %add3A_167, %broadcast_in_dim3A_166 : vector<16xi32>
      %lt3A_169 = arith.constant -2147483648 : i32
      %lt3A_170 = vector.broadcast %lt3A_169 : i32 to vector<16xi32>
      %lt3A_171 = arith.cmpi ult, %add3A_168, %lt3A_170 : vector<16xi32>
      %not3A = arith.constant dense<-1> : vector<16xi32>
      %not3A_172 = arith.xori %add3A_168, %not3A : vector<16xi32>
      %xor3A = arith.constant -2147483648 : i32
      %xor3A_173 = vector.broadcast %xor3A : i32 to vector<16xi32>
      %xor3A_174 = arith.xori %add3A_168, %xor3A_173 : vector<16xi32>
      %select_n3A_175 = arith.select %lt3A_171, %not3A_172, %xor3A_174 : vector<16xi1>, vector<16xi32>
      %bitcast3A = vector.bitcast %select_n3A_175 : vector<16xi32> to vector<16xf32>
      %scan3A_176 = arith.constant 0 : i32
      %scan3A_177 = arith.constant 0 : i32
      %scan3A_178 = arith.constant 2048 : i32
      %scan3A_179 = arith.addi %scan3A_177, %scan3A_178 : i32
      %scan3A_180 = arith.constant 8 : i32
      %scan3A_181 = scf.for %scan3A_184 = %scan3A_177 to %scan3A_179 step %scan3A_180 iter_args(%scan3A_185 = %scan3A_176) -> (i32)  : i32 {
        %mul3A_186 = arith.constant 16 : i32
        %mul3A_187 = arith.muli %scan3A_184, %mul3A_186 : i32
        %get3A_188 = arith.index_cast %mul3A_187 : i32 to index
        %get3A_189 = tpu.vector_load %arg5[%get3A_188] {strides = array<i32>} : memref<32768xf32, #tpu.memory_space<vmem>>, vector<16xf32>,
        %ge3A = arith.cmpf oge, %get3A_189, %bitcast3A : vector<16xf32>
        %jit3A_190 = arith.constant 0.000000e+00 : f32
        %broadcast_in_dim3A_191 = vector.broadcast %jit3A_190 : f32 to vector<16xf32>
        %select_n3A_192 = arith.select %ge3A, %get3A_189, %broadcast_in_dim3A_191 : vector<16xi1>, vector<16xf32>
        %mul3A_193 = arith.constant 16 : i32
        %mul3A_194 = arith.muli %scan3A_184, %mul3A_193 : i32
        %swap3A = arith.index_cast %mul3A_194 : i32 to index
        %swap3A_195 = tpu.vector_load %arg5[%swap3A] {strides = array<i32>} : memref<32768xf32, #tpu.memory_space<vmem>>, vector<16xf32>,
        tpu.vector_store %arg5[%swap3A], %select_n3A_192 {strides = array<i32>} : memref<32768xf32, #tpu.memory_space<vmem>>, vector<16xf32>,
        %scan3A_196 = arith.constant 0 : i32
        %scan3A_197 = arith.constant 1 : i32
        %scan3A_198 = arith.addi %scan3A_184, %scan3A_197 : i32
        %mul3A_199 = arith.constant 16 : i32
        %mul3A_200 = arith.muli %scan3A_198, %mul3A_199 : i32
        %get3A_201 = arith.index_cast %mul3A_200 : i32 to index
        %get3A_202 = tpu.vector_load %arg5[%get3A_201] {strides = array<i32>} : memref<32768xf32, #tpu.memory_space<vmem>>, vector<16xf32>,
        %ge3A_203 = arith.cmpf oge, %get3A_202, %bitcast3A : vector<16xf32>
        %jit3A_204 = arith.constant 0.000000e+00 : f32
        %broadcast_in_dim3A_205 = vector.broadcast %jit3A_204 : f32 to vector<16xf32>
        %select_n3A_206 = arith.select %ge3A_203, %get3A_202, %broadcast_in_dim3A_205 : vector<16xi1>, vector<16xf32>
        %mul3A_207 = arith.constant 16 : i32
        %mul3A_208 = arith.muli %scan3A_198, %mul3A_207 : i32
        %swap3A_209 = arith.index_cast %mul3A_208 : i32 to index
        %swap3A_210 = tpu.vector_load %arg5[%swap3A_209] {strides = array<i32>} : memref<32768xf32, #tpu.memory_space<vmem>>, vector<16xf32>,
        tpu.vector_store %arg5[%swap3A_209], %select_n3A_206 {strides = array<i32>} : memref<32768xf32, #tpu.memory_space<vmem>>, vector<16xf32>,
        %scan3A_211 = arith.constant 0 : i32
        %scan3A_212 = arith.constant 2 : i32
        %scan3A_213 = arith.addi %scan3A_184, %scan3A_212 : i32
        %mul3A_214 = arith.constant 16 : i32
        %mul3A_215 = arith.muli %scan3A_213, %mul3A_214 : i32
        %get3A_216 = arith.index_cast %mul3A_215 : i32 to index
        %get3A_217 = tpu.vector_load %arg5[%get3A_216] {strides = array<i32>} : memref<32768xf32, #tpu.memory_space<vmem>>, vector<16xf32>,
        %ge3A_218 = arith.cmpf oge, %get3A_217, %bitcast3A : vector<16xf32>
        %jit3A_219 = arith.constant 0.000000e+00 : f32
        %broadcast_in_dim3A_220 = vector.broadcast %jit3A_219 : f32 to vector<16xf32>
        %select_n3A_221 = arith.select %ge3A_218, %get3A_217, %broadcast_in_dim3A_220 : vector<16xi1>, vector<16xf32>
        %mul3A_222 = arith.constant 16 : i32
        %mul3A_223 = arith.muli %scan3A_213, %mul3A_222 : i32
        %swap3A_224 = arith.index_cast %mul3A_223 : i32 to index
        %swap3A_225 = tpu.vector_load %arg5[%swap3A_224] {strides = array<i32>} : memref<32768xf32, #tpu.memory_space<vmem>>, vector<16xf32>,
        tpu.vector_store %arg5[%swap3A_224], %select_n3A_221 {strides = array<i32>} : memref<32768xf32, #tpu.memory_space<vmem>>, vector<16xf32>,
        %scan3A_226 = arith.constant 0 : i32
        %scan3A_227 = arith.constant 3 : i32
        %scan3A_228 = arith.addi %scan3A_184, %scan3A_227 : i32
        %mul3A_229 = arith.constant 16 : i32
        %mul3A_230 = arith.muli %scan3A_228, %mul3A_229 : i32
        %get3A_231 = arith.index_cast %mul3A_230 : i32 to index
        %get3A_232 = tpu.vector_load %arg5[%get3A_231] {strides = array<i32>} : memref<32768xf32, #tpu.memory_space<vmem>>, vector<16xf32>,
        %ge3A_233 = arith.cmpf oge, %get3A_232, %bitcast3A : vector<16xf32>
        %jit3A_234 = arith.constant 0.000000e+00 : f32
        %broadcast_in_dim3A_235 = vector.broadcast %jit3A_234 : f32 to vector<16xf32>
        %select_n3A_236 = arith.select %ge3A_233, %get3A_232, %broadcast_in_dim3A_235 : vector<16xi1>, vector<16xf32>
        %mul3A_237 = arith.constant 16 : i32
        %mul3A_238 = arith.muli %scan3A_228, %mul3A_237 : i32
        %swap3A_239 = arith.index_cast %mul3A_238 : i32 to index
        %swap3A_240 = tpu.vector_load %arg5[%swap3A_239] {strides = array<i32>} : memref<32768xf32, #tpu.memory_space<vmem>>, vector<16xf32>,
        tpu.vector_store %arg5[%swap3A_239], %select_n3A_236 {strides = array<i32>} : memref<32768xf32, #tpu.memory_space<vmem>>, vector<16xf32>,
        %scan3A_241 = arith.constant 0 : i32
        %scan3A_242 = arith.constant 4 : i32
        %scan3A_243 = arith.addi %scan3A_184, %scan3A_242 : i32
        %mul3A_244 = arith.constant 16 : i32
        %mul3A_245 = arith.muli %scan3A_243, %mul3A_244 : i32
        %get3A_246 = arith.index_cast %mul3A_245 : i32 to index
        %get3A_247 = tpu.vector_load %arg5[%get3A_246] {strides = array<i32>} : memref<32768xf32, #tpu.memory_space<vmem>>, vector<16xf32>,
        %ge3A_248 = arith.cmpf oge, %get3A_247, %bitcast3A : vector<16xf32>
        %jit3A_249 = arith.constant 0.000000e+00 : f32
        %broadcast_in_dim3A_250 = vector.broadcast %jit3A_249 : f32 to vector<16xf32>
        %select_n3A_251 = arith.select %ge3A_248, %get3A_247, %broadcast_in_dim3A_250 : vector<16xi1>, vector<16xf32>
        %mul3A_252 = arith.constant 16 : i32
        %mul3A_253 = arith.muli %scan3A_243, %mul3A_252 : i32
        %swap3A_254 = arith.index_cast %mul3A_253 : i32 to index
        %swap3A_255 = tpu.vector_load %arg5[%swap3A_254] {strides = array<i32>} : memref<32768xf32, #tpu.memory_space<vmem>>, vector<16xf32>,
        tpu.vector_store %arg5[%swap3A_254], %select_n3A_251 {strides = array<i32>} : memref<32768xf32, #tpu.memory_space<vmem>>, vector<16xf32>,
        %scan3A_256 = arith.constant 0 : i32
        %scan3A_257 = arith.constant 5 : i32
        %scan3A_258 = arith.addi %scan3A_184, %scan3A_257 : i32
        %mul3A_259 = arith.constant 16 : i32
        %mul3A_260 = arith.muli %scan3A_258, %mul3A_259 : i32
        %get3A_261 = arith.index_cast %mul3A_260 : i32 to index
        %get3A_262 = tpu.vector_load %arg5[%get3A_261] {strides = array<i32>} : memref<32768xf32, #tpu.memory_space<vmem>>, vector<16xf32>,
        %ge3A_263 = arith.cmpf oge, %get3A_262, %bitcast3A : vector<16xf32>
        %jit3A_264 = arith.constant 0.000000e+00 : f32
        %broadcast_in_dim3A_265 = vector.broadcast %jit3A_264 : f32 to vector<16xf32>
        %select_n3A_266 = arith.select %ge3A_263, %get3A_262, %broadcast_in_dim3A_265 : vector<16xi1>, vector<16xf32>
        %mul3A_267 = arith.constant 16 : i32
        %mul3A_268 = arith.muli %scan3A_258, %mul3A_267 : i32
        %swap3A_269 = arith.index_cast %mul3A_268 : i32 to index
        %swap3A_270 = tpu.vector_load %arg5[%swap3A_269] {strides = array<i32>} : memref<32768xf32, #tpu.memory_space<vmem>>, vector<16xf32>,
        tpu.vector_store %arg5[%swap3A_269], %select_n3A_266 {strides = array<i32>} : memref<32768xf32, #tpu.memory_space<vmem>>, vector<16xf32>,
        %scan3A_271 = arith.constant 0 : i32
        %scan3A_272 = arith.constant 6 : i32
        %scan3A_273 = arith.addi %scan3A_184, %scan3A_272 : i32
        %mul3A_274 = arith.constant 16 : i32
        %mul3A_275 = arith.muli %scan3A_273, %mul3A_274 : i32
        %get3A_276 = arith.index_cast %mul3A_275 : i32 to index
        %get3A_277 = tpu.vector_load %arg5[%get3A_276] {strides = array<i32>} : memref<32768xf32, #tpu.memory_space<vmem>>, vector<16xf32>,
        %ge3A_278 = arith.cmpf oge, %get3A_277, %bitcast3A : vector<16xf32>
        %jit3A_279 = arith.constant 0.000000e+00 : f32
        %broadcast_in_dim3A_280 = vector.broadcast %jit3A_279 : f32 to vector<16xf32>
        %select_n3A_281 = arith.select %ge3A_278, %get3A_277, %broadcast_in_dim3A_280 : vector<16xi1>, vector<16xf32>
        %mul3A_282 = arith.constant 16 : i32
        %mul3A_283 = arith.muli %scan3A_273, %mul3A_282 : i32
        %swap3A_284 = arith.index_cast %mul3A_283 : i32 to index
        %swap3A_285 = tpu.vector_load %arg5[%swap3A_284] {strides = array<i32>} : memref<32768xf32, #tpu.memory_space<vmem>>, vector<16xf32>,
        tpu.vector_store %arg5[%swap3A_284], %select_n3A_281 {strides = array<i32>} : memref<32768xf32, #tpu.memory_space<vmem>>, vector<16xf32>,
        %scan3A_286 = arith.constant 0 : i32
        %scan3A_287 = arith.constant 7 : i32
        %scan3A_288 = arith.addi %scan3A_184, %scan3A_287 : i32
        %mul3A_289 = arith.constant 16 : i32
        %mul3A_290 = arith.muli %scan3A_288, %mul3A_289 : i32
        %get3A_291 = arith.index_cast %mul3A_290 : i32 to index
        %get3A_292 = tpu.vector_load %arg5[%get3A_291] {strides = array<i32>} : memref<32768xf32, #tpu.memory_space<vmem>>, vector<16xf32>,
        %ge3A_293 = arith.cmpf oge, %get3A_292, %bitcast3A : vector<16xf32>
        %jit3A_294 = arith.constant 0.000000e+00 : f32
        %broadcast_in_dim3A_295 = vector.broadcast %jit3A_294 : f32 to vector<16xf32>
        %select_n3A_296 = arith.select %ge3A_293, %get3A_292, %broadcast_in_dim3A_295 : vector<16xi1>, vector<16xf32>
        %mul3A_297 = arith.constant 16 : i32
        %mul3A_298 = arith.muli %scan3A_288, %mul3A_297 : i32
        %swap3A_299 = arith.index_cast %mul3A_298 : i32 to index
        %swap3A_300 = tpu.vector_load %arg5[%swap3A_299] {strides = array<i32>} : memref<32768xf32, #tpu.memory_space<vmem>>, vector<16xf32>,
        tpu.vector_store %arg5[%swap3A_299], %select_n3A_296 {strides = array<i32>} : memref<32768xf32, #tpu.memory_space<vmem>>, vector<16xf32>,
        %scan3A_301 = arith.constant 0 : i32
        scf.yield %scan3A_301 : i32
      }
      %scan3A_182 = arith.constant 2048 : i32
      "tpu.region"() ({
        %run_scoped3A = tpu.sem_alloc : memref<!tpu.dma_semaphore, #tpu.memory_space<semaphore_mem>>
        %dma_start3A = arith.constant 0 : i32
        %dma_start3A_184 = tpu.memref_slice %arg4[%add3A_12, %dma_start3A] : memref<128x32768xf32, #tpu.memory_space<hbm>> -> memref<1x32768xf32, #tpu.memory_space<hbm>>
        %dma_start3A_185 = tpu.memref_squeeze %dma_start3A_184 : memref<1x32768xf32, #tpu.memory_space<hbm>> -> memref<32768xf32, #tpu.memory_space<hbm>>
        %dma_start3A_186 = arith.constant 0 : i32
        %dma_start3A_187 = tpu.memref_slice %arg4[%add3A_12, %dma_start3A_186] : memref<128x32768xf32, #tpu.memory_space<hbm>> -> memref<1x32768xf32, #tpu.memory_space<hbm>>
        %dma_start3A_188 = tpu.memref_squeeze %dma_start3A_187 : memref<1x32768xf32, #tpu.memory_space<hbm>> -> memref<32768xf32, #tpu.memory_space<hbm>>
        tpu.enqueue_dma source(%arg5 : memref<32768xf32, #tpu.memory_space<vmem>>) target(%dma_start3A_188 : memref<32768xf32, #tpu.memory_space<hbm>>) target_semaphore(%run_scoped3A : memref<!tpu.dma_semaphore, #tpu.memory_space<semaphore_mem>>)
        %dma_wait3A = arith.constant 0 : i32
        %dma_wait3A_189 = tpu.memref_slice %arg4[%add3A_12, %dma_wait3A] : memref<128x32768xf32, #tpu.memory_space<hbm>> -> memref<1x32768xf32, #tpu.memory_space<hbm>>
        %dma_wait3A_190 = tpu.memref_squeeze %dma_wait3A_189 : memref<1x32768xf32, #tpu.memory_space<hbm>> -> memref<32768xf32, #tpu.memory_space<hbm>>
        %dma_wait3A_191 = arith.constant 0 : i32
        %dma_wait3A_192 = tpu.memref_slice %arg4[%add3A_12, %dma_wait3A_191] : memref<128x32768xf32, #tpu.memory_space<hbm>> -> memref<1x32768xf32, #tpu.memory_space<hbm>>
        %dma_wait3A_193 = tpu.memref_squeeze %dma_wait3A_192 : memref<1x32768xf32, #tpu.memory_space<hbm>> -> memref<32768xf32, #tpu.memory_space<hbm>>
        tpu.wait_dma2 semaphore(%run_scoped3A : memref<!tpu.dma_semaphore, #tpu.memory_space<semaphore_mem>>) src(%arg5 : memref<32768xf32, #tpu.memory_space<vmem>>) dst(%dma_wait3A_193 : memref<32768xf32, #tpu.memory_space<hbm>>)
        tpu.yield
      }) : () -> ()
      %scan3A_183 = arith.constant 0 : i32
      scf.yield %scan3A_183 : i32
    }
    %scan3A_7 = arith.constant 4 : i32
    return
  }
}

</mosaic_0001>

<sc_bundles>
// kernel: _masked.3.cloned.1.call-start
scs
__scs_entry_jumppad:
0x0: {  	(pc) =	sbr.rel $0x88, $3  }
0x1: {  	(tag) =	ssettag $0x0;
	lr =	simm.s32 $0x1  }
0x2: {  	[smem:$0x3F9F] =	sst lr;
	_ =	strace $0xD0000000  }
0x3: {  	_ = 	snop  }
0x4: {  	_ = 	snop  }
0x5: {  	_ = 	snop  }
0x6: {  	_ = 	snop  }
0x7: {  	_ = 	snop  }
__scs_overlays_trampoline_lowered:
0x8: {  	[smem:$0x3FAE] =	sst s0  }
0x9: {  	[smem:$0x3FAF] =	sst s1  }
0xa: {  	[smem:$0x3FB0] =	sst s2  }
0xb: {  	[smem:$0x3FB1] =	sst s3  }
0xc: {  	[smem:$0x3FB2] =	sst s4  }
0xd: {  	[smem:$0x3FB3] =	sst s5  }
0xe: {  	[smem:$0x3FB4] =	sst s6  }
0xf: {  	[smem:$0x3FB5] =	sst s7  }
0x10: {  	[smem:$0x3FB6] =	sst s8  }
0x11: {  	[smem:$0x3FB7] =	sst s9;
	s0 =	simm.s32 @!p0 $0x0  }
0x12: {  	s1 =	sld [smem:$0x3F9D];
	s0 =	simm.s32 @p0 $0x1  }
0x13: {  	[smem:$0x3FB8] =	sst s0;
	s0 =	simm.s32 @!p1 $0x0  }
0x14: {  	s2 =	sld [smem:$0x3F9C];
	s0 =	simm.s32 @p1 $0x1  }
0x15: {  	[smem:$0x3FB9] =	sst s0;
	s0 =	simm.s32 @!p2 $0x0  }
0x16: {  	s3 =	sld [smem:$0x3FDB];
	s0 =	simm.s32 @p2 $0x1  }
0x17: {  	s4 =	simm.s32 $0x1BF5;
	[smem:$0x3FBB] =	sst s0  }
0x18: {  	s0 =	sld [smem:$0x3F9E];
	_ =	swait.ge [sflag:s4], $0x0  }
0x19: {  	s7 =	sld [smem:$0x3F9F]  }
0x1a: {  	s8 =	sadd.s32 $0xFFFFE003, lr  }
0x1b: {  	s9 =	sadd.s32 $0xFFFFFEF7, lr;
	s5 =	simm.s32 $0xFFFFFFFF;
	p2 =	slt.u32 s8, $0xFFFFF086  }
0x1c: {  	p1 =	slt.u32 s9, $0xF7A;
	s5 =	simm.s32 @!p2 $0x0  }
0x1d: {  	s5 =	simm.s32 @p1 $0x1;
	p0 =	seq.s32 s7, s2  }
0x1e: {  	s7 =	smul.u32 @!p0 $0xF7A, s2;
	p2 =	seq.s32 @!p0 s5, $0x0  }
0x1f: {  	s9 =	smul.u32 $0xF7A, s1;
	s8 =	simm.s32 @!p0 $0x1BF5;
	p2 =	por !p2, p0  }
0x20: {  	[sflag:s8] =	ssyncset.s32 @!p0 $0xFFFFF086;
	s6 =	sadd.s32 @!p0 s3, s7;
	s7 =	simm.s32 @!p0 $0x108  }
0x21: {  	s3 =	sadd.s32 s3, s9;
	s6 =	sadd.s32 @!p0 $0x88, s6;
	s7 =	simm.s32 @p2 $0x1082  }
0x22: {  	[simem:s7], [sflag:s8] =	dma.local @!p0 [hbm:s6], $0xF7A  }
0x23: {  	s9 =	sor.u32 $0xD0000000, s2;
	s6 =	simm.s32 $0x108;
	_ =	swait.ge @!p0 [sflag:s8], $0x0  }
0x24: {  	s3 =	sadd.s32 $0x88, s3;
	s6 =	simm.s32 @!p1 $0x1082;
	[sflag:s4] =	ssyncset.s32 $0xFFFFF086  }
0x25: {  	[simem:s6], [sflag:s4] =	dma.local [hbm:s3], $0xF7A  }
0x26: {  	[smem:$0x3F9F] =	sst s1;
	(tag) =	ssettag s2;
	_ =	strace s9  }
0x27: {  	s1 =	sld [smem:$0x3FAF]  }
0x28: {  	s2 =	sld [smem:$0x3FB0]  }
0x29: {  	s4 =	sld [smem:$0x3FB2]  }
0x2a: {  	p0 =	seq.s32 s5, $0x0;
	s5 =	sld [smem:$0x3FB3]  }
0x2b: {  	s6 =	sld [smem:$0x3FB4]  }
0x2c: {  	s7 =	sld [smem:$0x3FB5]  }
0x2d: {  	s3 =	simm.s32 $0x108;
	s8 =	sld [smem:$0x3FB6]  }
0x2e: {  	s3 =	simm.s32 @!p0 $0x1082;
	s9 =	sld [smem:$0x3FB7]  }
0x2f: {  	lr =	sadd.s32 s0, s3;
	s0 =	sld [smem:$0x3FAE]  }
0x30: {  	s3 =	sld [smem:$0x3FB1]  }
0x31: {  	[smem:$0x3FBA] =	sst s10  }
0x32: {  	s10 =	sld [smem:$0x3FB8];
	_ =	sdelay $0x3  }
0x33: {  	p0 =	seq.s32 s10, $0x1;
	s10 =	sld [smem:$0x3FBA];
	_ =	sdelay $0x3  }
0x34: {  	[smem:$0x3FBA] =	sst s10  }
0x35: {  	s10 =	sld [smem:$0x3FB9];
	_ =	sdelay $0x3  }
0x36: {  	p1 =	seq.s32 s10, $0x1;
	s10 =	sld [smem:$0x3FBA];
	_ =	sdelay $0x3  }
0x37: {  	[smem:$0x3FBA] =	sst s10  }
0x38: {  	s10 =	sld [smem:$0x3FBB]  }
0x39: {  	_ = 	snop;
	(pc) =	sbr.ind lr, $3  }
0x3a: {  	_ = 	snop  }
0x3b: {  	_ = 	snop  }
0x3c: {  	p2 =	seq.s32 s10, $0x1;
	s10 =	sld [smem:$0x3FBA]  }
0x3d: {  	_ =	shalt  }
0x3e: {  	_ =	shalt  }
0x3f: {  	_ =	shalt  }
0x40: {  	_ =	shalt  }
0x41: {  	_ =	shalt  }
0x42: {  	_ =	shalt  }
0x43: {  	_ =	shalt  }
0x44: {  	_ =	shalt  }
0x45: {  	_ =	shalt  }
0x46: {  	_ =	shalt  }
0x47: {  	_ =	shalt  }
0x48: {  	_ =	shalt  }
0x49: {  	_ =	shalt  }
0x4a: {  	_ =	shalt  }
0x4b: {  	_ =	shalt  }
0x4c: {  	_ =	shalt  }
0x4d: {  	_ =	shalt  }
0x4e: {  	_ =	shalt  }
0x4f: {  	_ =	shalt  }
0x50: {  	_ =	shalt  }
0x51: {  	_ =	shalt  }
0x52: {  	_ =	shalt  }
0x53: {  	_ =	shalt  }
0x54: {  	_ =	shalt  }
0x55: {  	_ =	shalt  }
0x56: {  	_ =	shalt  }
0x57: {  	_ =	shalt  }
0x58: {  	_ =	shalt  }
0x59: {  	_ =	shalt  }
0x5a: {  	_ =	shalt  }
0x5b: {  	_ =	shalt  }
0x5c: {  	_ =	shalt  }
0x5d: {  	_ =	shalt  }
0x5e: {  	_ =	shalt  }
0x5f: {  	_ =	shalt  }
0x60: {  	_ =	shalt  }
0x61: {  	_ =	shalt  }
0x62: {  	_ =	shalt  }
0x63: {  	_ =	shalt  }
0x64: {  	_ =	shalt  }
0x65: {  	_ =	shalt  }
0x66: {  	_ =	shalt  }
0x67: {  	_ =	shalt  }
0x68: {  	_ =	shalt  }
0x69: {  	_ =	shalt  }
0x6a: {  	_ =	shalt  }
0x6b: {  	_ =	shalt  }
0x6c: {  	_ =	shalt  }
0x6d: {  	_ =	shalt  }
0x6e: {  	_ =	shalt  }
0x6f: {  	_ =	shalt  }
0x70: {  	_ =	shalt  }
0x71: {  	_ =	shalt  }
0x72: {  	_ =	shalt  }
0x73: {  	_ =	shalt  }
0x74: {  	_ =	shalt  }
0x75: {  	_ =	shalt  }
0x76: {  	_ =	shalt  }
0x77: {  	_ =	shalt  }
0x78: {  	_ =	shalt  }
0x79: {  	_ =	shalt  }
0x7a: {  	_ =	shalt  }
0x7b: {  	_ =	shalt  }
0x7c: {  	_ =	shalt  }
0x7d: {  	_ =	shalt  }
0x7e: {  	_ =	shalt  }
0x7f: {  	_ =	shalt  }
0x80: {  	_ =	shalt  }
0x81: {  	_ =	shalt  }
0x82: {  	_ =	shalt  }
0x83: {  	_ =	shalt  }
0x84: {  	_ =	shalt  }
0x85: {  	_ =	shalt  }
0x86: {  	_ =	shalt  }
0x87: {  	_ =	shalt  }
.Lfunc_end0:
.L_simem_size_0:
called_computation_lowered:
.L_overlay_start_0:
0x88: {  	s2 =	sld [smem:$0x3FD9]  }
0x89: {  	s3 =	sld [smem:$0x3FFE];
	_ =	sdelay $0x1  }
0x8a: {  	s1 =	srdreg.scid  }
0x8b: {  	s0 =	sand.u32 $0x1, s1  }
0x8c: {  	s18 =	sshll.u32 s0, $0xA;
	s2 =	sadd.s32 s3, s2  }
0x8d: {  	s2 =	sadd.s32 s2, s18  }
0x8e: {  	[smem:$0x3FC6] =	sst s2  }
0x8f: {  	_ = 	snop  }
0x90: {  	s2 =	sld [smem:$0x3FC9]  }
0x91: {  	s19 =	sld [smem:$0x3FC8]  }
0x92: {  	s4 =	sld [smem:$0x3FD0];
	(tm) =	ssettm $0x1  }
0x93: {  	s5 =	sld [smem:$0x3FFB];
	_ =	sdelay $0x3  }
0x94: {  	_ =	strace s5  }
0x95: {  	s5 =	sld [smem:$0x3FFC];
	_ =	sdelay $0x3  }
0x96: {  	_ =	strace s5  }
0x97: {  	s5 =	sld [smem:$0x3FFD];
	_ =	sdelay $0x3  }
0x98: {  	_ =	strace s5  }
0x99: {  	_ =	strace $0x8FFFFFFF  }
0x9a: {  	s20 =	sld [smem:$0x3FDB];
	_ =	sdelay $0x1  }
0x9b: {  	s6 =	simm.s32 $_scs_section_size  }
0x9c: {  	s7 =	simm.s32 $_size__tile_overlayer_lowered;
	s8 =	simm.s32 $_tile_overlayer_lowered  }
0x9d: {  	s23 =	simm.s32 $0x1BFF;
	s22 =	sshll.u32 s8, $0x1;
	s5 =	sadd.s32 s6, s20  }
0x9e: {  	s9 =	simm.s32 $0x0;
	s21 =	sshll.u32 s7, $0x1;
	s7 =	sadd.s32 s22, s5  }
0x9f: {  	[timem:s9], [sflag:s23] =	dma.local [hbm:s7], s21  }
0xa0: {  	_ =	swait.ge [sflag:s23], s21  }
0xa1: {  	s6 =	ssub.s32 $0x0, s21;
	[sflag:s23] =	ssyncset.done $0x0  }
0xa2: {  	[sflag:s23] =	ssyncadd.s32 s6;
	_ =	sdelay $0x1  }
0xa3: {  	s24 =	simm.s32 $0x1B8B  }
0xa4: {  	_ =	swait.ge [sflag:s24], $0x1  }
0xa5: {  	[sflag:s24] =	ssyncset.done $0x0  }
0xa6: {  	s25 =	simm.s32 $0x1B8E;
	[sflag:s24] =	ssyncadd.s32 $0xFFFFFFFF  }
0xa7: {  	s26 =	simm.s32 $execute0_lowered;
	[smem:$0x3FD2] =	sst s25  }
0xa8: {  	s6 =	sshll.u32 s26, $0x1;
	_ =	strace $0x80000046;
	[dreg:$0x1] =	wrdreg $0xFFFFFFFF  }
0xa9: {  	s28 =	simm.s32 $_size_execute0_lowered;
	s5 =	sadd.s32 s5, s6;
	[dreg:$0x0] =	wrdreg $0x0  }
0xaa: {  	s6 =	sshll.u32 s28, $0x1;
	[dreg:$0x2] =	wrdreg s5  }
0xab: {  	[dreg:$0x3] =	wrdreg s6  }
0xac: {  	[dreg:$0x4] =	wrdreg $0xC0  }
0xad: {  	_ =	task [dreg:s9], $0x5FFFF  }
0xae: {  	[dreg:$0x1] =	wrdreg $0xFFFFFFFF  }
0xaf: {  	[dreg:$0x0] =	wrdreg $0x60  }
0xb0: {  	[dreg:$0x2] =	wrdreg s2  }
0xb1: {  	[dreg:$0x3] =	wrdreg s19  }
0xb2: {  	[dreg:$0x4] =	wrdreg s4  }
0xb3: {  	[dreg:$0x5] =	wrdreg $0x9  }
0xb4: {  	_ =	task.clear_ibuf [dreg:s9], $0x6FFFF;
	_ =	strace $0x90000046  }
0xb5: {  	s29 =	simm.s32 $0x9;
	_ =	strace $0x80000048  }
0xb6: {  	_ =	swait.ge [sflag:s29], $0x1  }
0xb7: {  	[sflag:s29] =	ssyncadd.s32 $0xFFFFFFFF  }
0xb8: {  	_ =	strace $0x90000048  }
0xb9: {  	_ =	sfence  }
0xba: {  	s30 =	sld [smem:$0x0];
	_ =	sdelay $0x2  }
0xbb: {  	s31 =	sshll.u32 s1, $0xD;
	s1 =	sshrl.u32 s1, $0x2  }
0xbc: {  	s3 =	sand.u32 $0x4000, s31;
	s1 =	sadd.s32 s1, s30  }
0xbd: {  	s0 =	sor.u32 s3, s0;
	s1 =	sshll.u32 s1, $0x11  }
0xbe: {  	s0 =	sor.u32 s1, s0  }
0xbf: {  	s0 =	sadd.s32 $0x8F2B, s0  }
0xc0: {  	[sflag:s0] =	ssyncadd.remote.s32 $0x1  }
0xc1: {  	_ =	sfence.sel $0xFFFF  }
0xc2: {  	[dreg:$0x0] =	wrdreg $0xFFFFFFFF;
	(pc) =	sbr.abs _section_cstart, $3  }
0xc3: {  	[dreg:$0x1] =	wrdreg $0xFFFFFFFF  }
0xc4: {  	_ =	task.clear_ibuf [dreg:s9], $0x2FFFF;
	_ =	strace $0x9FFFFFFF  }
0xc5: {  	(tm) =	ssettm $0x7FFFFFFF  }
tec
execute0_lowered:
.L_overlay_start_1:
0x0: {  	(tag) =	ssettag $0x1  }
0x1: {  	s1 =	rddreg [dreg:$0x0]  }
0x2: {  	s2 =	rddreg [dreg:$0x1]  }
0x3: {  	s3 =	rddreg [dreg:$0x2]  }
0x4: {  	s5 =	srdreg.scid;
	s0 =	rddreg [dreg:$0x3];
	s4 =	simm.s32 $0x0  }
0x5: {  	s10 =	simm.s32 $0x1;
	s11 =	simm.s32 $0x80;
	s12 =	simm.s32 $0x400  }
0x6: {  	s14 =	simm.s32 $0x10000;
	s15 =	simm.s32 $0x0;
	s6 =	sand.u32 $0x1, s5  }
0x7: {  	[smem:$0x7FF] =	sst s4;
	s5 =	stileid.u32;
	s7 =	ssub.s32 $0x2, s6  }
0x8: {  	_ =	strace $0x80000047;
	s30 =	sshll.u32 s5, $0x3;
	s9 =	sshll.u32 s6, $0x2  }
0x9: {  	s6 =	sshll.u32 s5, $0xF;
	s31 =	sshll.u32 s5, $0x5;
	s8 =	sshrl.u32 s7, $0x1  }
0xa: {  	v0 =	vimm.s32 $0x0;
	s13 =	sand.u32 $0x1C0, s31;
	s8 =	ssub.s32 s7, s8;
	s7 =	sor.u32 s9, s30  }
0xb: {  	v1 =	vimm.s32 $0x1;
	v2 =	vlaneseq.u32;
	v3 =	vimm.s32 $0x80000000;
	s9 =	simm.s32 $0x11000;
	s13 =	sshrl.u32 s13, $0x2;
	s8 =	smax.u32 s8, $0x1  }
.LBB2_1:
0xc: {  	[tilespmem:s9], [sflag:$0x1] =	stream.linear.gather [hbm4b:s2+s4], $0x80, $0x38;
	[tilespmem:$0x11080] =	vst v63  }
0xd: {  	_ =	swait.ge [sflag:s10], $0x80  }
0xe: {  	[sflag:s10] =	ssyncset.done $0x0  }
0xf: {  	s16 =	simm.s32 $0x0;
	[sflag:s10] =	ssyncadd.s32 $0xFFFFFF80  }
.LBB2_2:
0x10: {  	s18 =	sadd.s32 s7, s16  }
0x11: {  	s17 =	sshll.u32 s18, $0x4  }
0x12: {  	s17 =	sand.u32 $0x70, s17  }
0x13: {  	s17 =	sor.u32 s6, s17  }
0x14: {  	s19 =	sadd.s32 s1, s17  }
0x15: {  	[tilespmem:s4], [sflag:$0x1] =	stream.strided.gather [hbm4b:s19+s11], $0x8000, s12, s11, $0x38;
	[tilespmem:$0x11080] =	vst v63  }
0x16: {  	_ =	swait.ge [sflag:s10], $0x8000  }
0x17: {  	[sflag:s10] =	ssyncset.done $0x0  }
0x18: {  	s22 =	simm.s32 $0x10040;
	[sflag:s10] =	ssyncadd.s32 $0xFFFF8000  }
0x19: {  	v4 =	vld [tilespmem:s13+$0x11000];
	[tilespmem:s22+$0xFFFFFFC0] =	vst v0  }
0x1a: {  	[tilespmem:s22+$0x30] =	vst v0  }
0x1b: {  	[tilespmem:s22+$0x20] =	vst v0  }
0x1c: {  	[tilespmem:s22+$0x10] =	vst v0  }
0x1d: {  	[tilespmem:s22+$0x0] =	vst v0  }
0x1e: {  	[tilespmem:s22+$0xFFFFFFF0] =	vst v0  }
0x1f: {  	s23 =	simm.s32 $0x0;
	s20 =	simm.s32 $0x8040;
	s19 =	simm.s32 $0xFFFFFFF8;
	[tilespmem:s22+$0xFFFFFFE0] =	vst v0  }
.LBB2_3:
0x20: {  	s23 =	sadd.s32 $0x8, s23;
	[tilespmem:s22+$0xFFFFFFD0] =	vst v0;
	s22 =	sadd.s32 $0x80, s22;
	s21 =	simm.s32 $0x40  }
0x21: {  	[tilespmem:s22+$0xFFFFFFC0] =	vst v0;
	p0 =	slt.u32 s23, $0xF8  }
0x22: {  	[tilespmem:s22+$0x30] =	vst v0  }
.Ltmp0:
0x23: {  	[tilespmem:s22+$0x20] =	vst v0;
	(pc) =	sbr.rel @p0 .LBB2_3-.Ltmp0, $4  }
0x24: {  	[tilespmem:s22+$0x10] =	vst v0  }
0x25: {  	[tilespmem:s22+$0x0] =	vst v0  }
0x26: {  	[tilespmem:s22+$0xFFFFFFF0] =	vst v0  }
0x27: {  	[tilespmem:s22+$0xFFFFFFE0] =	vst v0  }
0x28: {  	[tilespmem:s22+$0xFFFFFFD0] =	vst v0  }
.LBB2_5:
0x29: {  	v5 =	vld [tilespmem:s21+$0xFFFFFFC0];
	_ =	sdelay $0x4  }
0x2a: {  	v6 =	vshra.s32 v5, $0x1F  }
0x2b: {  	v6 =	vor.u32 $0x80000000, v6  }
0x2c: {  	v5 =	vxor.u32 v5, v6  }
0x2d: {  	v6 =	vshrl.u32 v5, $0x14;
	_ =	sdelay $0x3  }
0x2e: {  	[tilespmem:s20+$0xFFFFFFC0] =	vst v5  }
0x2f: {  	[tilespmem:v6+s14+$0x0] =	vst.idx.add.s32.msk $0xffff, v1  }
0x30: {  	v5 =	vld [tilespmem:s21+$0xFFFFFFD0];
	_ =	sdelay $0x4  }
0x31: {  	v6 =	vshra.s32 v5, $0x1F  }
0x32: {  	v6 =	vor.u32 $0x80000000, v6  }
0x33: {  	v5 =	vxor.u32 v5, v6  }
0x34: {  	v6 =	vshrl.u32 v5, $0x14;
	_ =	sdelay $0x3  }
0x35: {  	[tilespmem:s20+$0xFFFFFFD0] =	vst v5  }
0x36: {  	[tilespmem:v6+s14+$0x0] =	vst.idx.add.s32.msk $0xffff, v1  }
0x37: {  	v5 =	vld [tilespmem:s21+$0xFFFFFFE0];
	_ =	sdelay $0x4  }
0x38: {  	v6 =	vshra.s32 v5, $0x1F  }
0x39: {  	v6 =	vor.u32 $0x80000000, v6  }
0x3a: {  	v5 =	vxor.u32 v5, v6  }
0x3b: {  	v6 =	vshrl.u32 v5, $0x14;
	_ =	sdelay $0x3  }
0x3c: {  	[tilespmem:s20+$0xFFFFFFE0] =	vst v5  }
0x3d: {  	[tilespmem:v6+s14+$0x0] =	vst.idx.add.s32.msk $0xffff, v1  }
0x3e: {  	v5 =	vld [tilespmem:s21+$0xFFFFFFF0];
	_ =	sdelay $0x4  }
0x3f: {  	v6 =	vshra.s32 v5, $0x1F  }
0x40: {  	v6 =	vor.u32 $0x80000000, v6  }
0x41: {  	v5 =	vxor.u32 v5, v6  }
0x42: {  	v6 =	vshrl.u32 v5, $0x14;
	_ =	sdelay $0x3  }
0x43: {  	[tilespmem:s20+$0xFFFFFFF0] =	vst v5  }
0x44: {  	[tilespmem:v6+s14+$0x0] =	vst.idx.add.s32.msk $0xffff, v1  }
0x45: {  	v5 =	vld [tilespmem:s21+$0x0];
	_ =	sdelay $0x4  }
0x46: {  	v6 =	vshra.s32 v5, $0x1F  }
0x47: {  	v6 =	vor.u32 $0x80000000, v6  }
0x48: {  	v5 =	vxor.u32 v5, v6  }
0x49: {  	v6 =	vshrl.u32 v5, $0x14;
	_ =	sdelay $0x3  }
0x4a: {  	[tilespmem:s20+$0x0] =	vst v5  }
0x4b: {  	[tilespmem:v6+s14+$0x0] =	vst.idx.add.s32.msk $0xffff, v1  }
0x4c: {  	v5 =	vld [tilespmem:s21+$0x10];
	_ =	sdelay $0x4  }
0x4d: {  	v6 =	vshra.s32 v5, $0x1F  }
0x4e: {  	v6 =	vor.u32 $0x80000000, v6  }
0x4f: {  	v5 =	vxor.u32 v5, v6  }
0x50: {  	v6 =	vshrl.u32 v5, $0x14;
	_ =	sdelay $0x3  }
0x51: {  	[tilespmem:s20+$0x10] =	vst v5  }
0x52: {  	[tilespmem:v6+s14+$0x0] =	vst.idx.add.s32.msk $0xffff, v1  }
0x53: {  	v5 =	vld [tilespmem:s21+$0x20];
	_ =	sdelay $0x4  }
0x54: {  	v6 =	vshra.s32 v5, $0x1F  }
0x55: {  	v6 =	vor.u32 $0x80000000, v6  }
0x56: {  	v5 =	vxor.u32 v5, v6  }
0x57: {  	v6 =	vshrl.u32 v5, $0x14;
	_ =	sdelay $0x3  }
0x58: {  	[tilespmem:s20+$0x20] =	vst v5  }
0x59: {  	[tilespmem:v6+s14+$0x0] =	vst.idx.add.s32.msk $0xffff, v1  }
0x5a: {  	v5 =	vld [tilespmem:s21+$0x30];
	_ =	sdelay $0x4  }
0x5b: {  	v6 =	vshra.s32 v5, $0x1F  }
0x5c: {  	v6 =	vor.u32 $0x80000000, v6  }
0x5d: {  	s19 =	sadd.s32 $0x8, s19;
	v5 =	vxor.u32 v5, v6  }
0x5e: {  	p0 =	slt.u32 s19, $0x7F8;
	v6 =	vshrl.u32 v5, $0x14  }
.Ltmp1:
0x5f: {  	_ = 	snop;
	(pc) =	sbr.rel @p0 .LBB2_5-.Ltmp1, $3  }
0x60: {  	_ =	sdelay $0x1  }
0x61: {  	[tilespmem:s20+$0x30] =	vst v5  }
0x62: {  	s21 =	sadd.s32 $0x80, s21;
	s20 =	sadd.s32 $0x80, s20;
	[tilespmem:v6+s14+$0x0] =	vst.idx.add.s32.msk $0xffff, v1  }
0x63: {  	s18 =	sand.u32 $0xF, s18  }
0x64: {  	v5 =	vmov s18  }
0x65: {  	vm0 =	veq.s32 v5, v2  }
0x66: {  	v4 =	vnsel vm0, $0x0, v4  }
0x67: {  	(xrf2) =	vadd.scan.msk.f32 $0xffff, v4;
	_ =	sdelay $0x8  }
0x68: {  	s22 =	simm.s32 $0x10020  }
0x69: {  	v12 =	vld [tilespmem:s22+$0xFFFFFFE0];
	v4, _, _ =	vpop (xrf2)  }
0x6a: {  	(v2sf) =	vpush v4, $0xF  }
0x6b: {  	v13 =	vld [tilespmem:s22+$0xFFFFFFF0];
	_ =	sdelay $0x2  }
0x6c: {  	(xrf0) =	vadd.scan.msk.s32 $0xffff, v12;
	_ =	sdelay $0x1  }
0x6d: {  	v15 =	vld [tilespmem:s22+$0x0];
	(xrf0) =	vadd.scan.msk.s32 $0xffff, v13  }
0x6e: {  	v25 =	vld [tilespmem:s22+$0x10];
	_ =	sdelay $0x2  }
0x6f: {  	v5, _, _ =	vpop (xrf0)  }
0x70: {  	s23 =	simm.s32 $0x10060;
	(xrf0) =	vadd.scan.msk.s32 $0xffff, v15;
	(v2sf) =	vpush v5, $0xF  }
0x71: {  	v10 =	vld [tilespmem:s23+$0xFFFFFFE0];
	v8, _, _ =	vpop (xrf0);
	(xrf0) =	vadd.scan.msk.s32 $0xffff, v25  }
0x72: {  	v19 =	vld [tilespmem:s23+$0xFFFFFFF0]  }
0x73: {  	(v2sf) =	vpush v8, $0xF  }
0x74: {  	s30 =	spop (v2sf)  }
0x75: {  	s18 =	smul.f32 $3.276800000e+04, s30  }
0x76: {  	(xrf0) =	vadd.scan.msk.s32 $0xffff, v10;
	v14, _, _ =	vpop (xrf0)  }
0x77: {  	(xrf0) =	vadd.scan.msk.s32 $0xffff, v19;
	(v2sf) =	vpush v14, $0xF;
	v17, _, _ =	vpop (xrf0);
	s19 =	scvt.f32.s32 s18  }
0x78: {  	(v2sf) =	vpush v17, $0xF  }
0x79: {  	v11 =	vld [tilespmem:s23+$0x0];
	s20 =	scvt.s32.f32 s19;
	_ =	sdelay $0x1  }
0x7a: {  	s24 =	simm.s32 $0x100A0;
	v9 =	vld [tilespmem:s23+$0x10];
	p0 =	sgt.f32 s18, s20  }
0x7b: {  	v6 =	vld [tilespmem:s24+$0xFFFFFFE0];
	v20, _, _ =	vpop (xrf0);
	s18 =	simm.s32 $0x1  }
0x7c: {  	v7 =	vld [tilespmem:s24+$0xFFFFFFF0];
	(v2sf) =	vpush v20, $0xF;
	v21, _, _ =	vpop (xrf0);
	s18 =	simm.s32 @!p0 $0x0  }
0x7d: {  	(xrf0) =	vadd.scan.msk.s32 $0xffff, v11;
	(v2sf) =	vpush v21, $0xF;
	s18 =	sadd.s32 s18, s19  }
0x7e: {  	s21 =	spop (v2sf);
	s18 =	sadd.s32 $0xFFFFFFFF, s18  }
0x7f: {  	(xrf0) =	vadd.scan.msk.s32 $0xffff, v9;
	s21 =	sadd.s32 $0x0, s21;
	p0 =	sgt.s32 s18, $0x0  }
0x80: {  	(xrf0) =	vadd.scan.msk.s32 $0xffff, v6;
	v18 =	vadd.s32 s21, v8;
	v8 =	vld [tilespmem:s24+$0x0];
	s18 =	simm.s32 @!p0 $0x0  }
0x81: {  	s31 =	simm.s32 $0x0;
	(xrf0) =	vadd.scan.msk.s32 $0xffff, v7;
	s22 =	spop (v2sf);
	s18 =	smin.u32 s18, $0x7FFF  }
0x82: {  	v16 =	vimm.s32 $0x0;
	v22 =	vadd.s32 s31, v5;
	s25 =	sadd.s32 s22, s21;
	v4 =	vmov s18  }
0x83: {  	v23, _, _ =	vpop (xrf0);
	v14 =	vadd.s32 s25, v14;
	vm0 =	vle.s32 v18, v4;
	vm1 =	vle.s32 v22, v4  }
0x84: {  	(v2sf) =	vpush v23, $0xF;
	v24 =	vsel vm0, $0x1, v0;
	v12 =	vnsel vm1, $0x0, v12  }
0x85: {  	s26 =	simm.s32 $0x100E0;
	v5 =	vld [tilespmem:s24+$0x10];
	s28 =	spop (v2sf);
	v18, _, _ =	vpop (xrf0);
	(xrf0) =	vadd.scan.msk.s32 $0xffff, v8;
	v22 =	vnsel vm0, $0x0, v13;
	vm0 =	vle.s32 v14, v4;
	v12 =	vadd.s32 v16, v12  }
0x86: {  	s29 =	spop (v2sf);
	s19 =	sadd.s32 s28, s25;
	v14, _, _ =	vpop (xrf0);
	(v2sf) =	vpush v18, $0xF;
	v15 =	vnsel vm0, $0x0, v15;
	v22 =	vadd.s32 v22, v12;
	v12 =	vld [tilespmem:s26+$0xFFFFFFE0]  }
0x87: {  	v17 =	vadd.s32 s19, v17;
	s19 =	sadd.s32 s29, s19;
	(v2sf) =	vpush v14, $0xF;
	v13, _, _ =	vpop (xrf0);
	v22 =	vadd.s32 v15, v22;
	v15 =	vld [tilespmem:s26+$0xFFFFFFF0]  }
0x88: {  	v20 =	vadd.s32 s19, v20;
	(v2sf) =	vpush v13, $0xF;
	_ =	sdelay $0x1  }
0x89: {  	(xrf0) =	vadd.scan.msk.s32 $0xffff, v5;
	v26 =	vsel vm1, $0x1, v0  }
0x8a: {  	s30 =	spop (v2sf);
	v16 =	vadd.s32 v26, v16;
	v26 =	vsel vm0, $0x1, v0;
	vm0 =	vle.s32 v20, v4;
	v20, _, _ =	vpop (xrf0);
	(xrf0) =	vadd.scan.msk.s32 $0xffff, v12  }
0x8b: {  	s31 =	spop (v2sf);
	s19 =	sadd.s32 s19, s30;
	vm2 =	vle.s32 v17, v4;
	(v2sf) =	vpush v20, $0xF;
	(xrf0) =	vadd.scan.msk.s32 $0xffff, v15  }
0x8c: {  	v17 =	vadd.s32 s19, v21;
	s19 =	sadd.s32 s31, s19;
	v27 =	vsel vm2, $0x1, v0  }
0x8d: {  	vm1 =	vle.s32 v17, v4;
	v28 =	vadd.s32 s19, v23;
	v16 =	vadd.s32 v24, v16  }
0x8e: {  	v17 =	vld [tilespmem:s26+$0x0];
	v25 =	vnsel vm2, $0x0, v25;
	v21 =	vsel vm1, $0x1, v0;
	v16 =	vadd.s32 v26, v16  }
0x8f: {  	s21 =	simm.s32 $0x10120;
	s20 =	simm.s32 $0xC;
	v24 =	vnsel vm1, $0x0, v19;
	vm1 =	vle.s32 v28, v4;
	v23 =	vadd.s32 v27, v16;
	v16 =	vld [tilespmem:s26+$0x10];
	v19, _, _ =	vpop (xrf0)  }
.LBB2_7:
0x90: {  	v26 =	vld [tilespmem:s21+$0xFFFFFFE0];
	s20 =	sadd.s32 $0x4, s20;
	v27, _, _ =	vpop (xrf0);
	(v2sf) =	vpush v19, $0xF;
	v29 =	vnsel vm0, $0x0, v10;
	v22 =	vadd.s32 v25, v22  }
0x91: {  	v10 =	vmov v6;
	v25 =	vld [tilespmem:s21+$0xFFFFFFF0];
	p0 =	slt.u32 s20, $0xFC;
	(v2sf) =	vpush v27, $0xF;
	v28, _, _ =	vpop (xrf0);
	v22 =	vadd.s32 v22, v29  }
0x92: {  	v6 =	vmovc v12;
	(v2sf) =	vpush v28, $0xF;
	v22 =	vadd.s32 v24, v22;
	v24 =	vmovc v7;
	v7 =	vmov v15  }
0x93: {  	v30 =	vnsel vm1, $0x0, v11;
	v11 =	vmovc v8;
	(xrf0) =	vadd.scan.msk.s32 $0xffff, v17;
	s22 =	spop (v2sf);
	v8 =	vmov v17;
	v29 =	vmov v9  }
0x94: {  	v15 =	vsel vm0, $0x1, v0;
	v22 =	vadd.s32 v30, v22;
	v9 =	vmovc v5;
	(xrf0) =	vadd.scan.msk.s32 $0xffff, v16;
	s19 =	sadd.s32 s22, s19;
	s22 =	spop (v2sf);
	v5 =	vmov v16  }
0x95: {  	v30 =	vadd.s32 v15, v23;
	v16 =	vsel vm1, $0x1, v0;
	(xrf0) =	vadd.scan.msk.s32 $0xffff, v26;
	s23 =	spop (v2sf);
	v17 =	vadd.s32 s19, v18;
	s19 =	sadd.s32 s22, s19;
	v12 =	vmovc v26  }
.Ltmp2:
0x96: {  	v21 =	vadd.s32 v21, v30;
	(xrf0) =	vadd.scan.msk.s32 $0xffff, v25;
	v26 =	vadd.s32 s19, v14;
	s19 =	sadd.s32 s19, s23;
	s22 =	spop (v2sf);
	vm2 =	vle.s32 v17, v4;
	v14 =	vmovc v27;
	(pc) =	sbr.rel @p0 .LBB2_7-.Ltmp2, $4  }
0x97: {  	v15 =	vmovc v25;
	vm0 =	vle.s32 v26, v4;
	v17 =	vadd.s32 s19, v13;
	s19 =	sadd.s32 s22, s19;
	v23 =	vsel vm2, $0x1, v0;
	v13 =	vmovc v28  }
0x98: {  	v16 =	vadd.s32 v16, v21;
	v18 =	vmovc v19;
	vm1 =	vle.s32 v17, v4;
	v25 =	vadd.s32 s19, v20  }
0x99: {  	v23 =	vadd.s32 v23, v16;
	v17 =	vld [tilespmem:s21+$0x0];
	v20, _, _ =	vpop (xrf0);
	v21 =	vsel vm1, $0x1, v0;
	v24 =	vnsel vm1, $0x0, v24  }
0x9a: {  	vm1 =	vle.s32 v25, v4;
	v25 =	vnsel vm2, $0x0, v29;
	v16 =	vld [tilespmem:s21+$0x10];
	s21 =	sadd.s32 $0x40, s21;
	(v2sf) =	vpush v20, $0xF;
	v19, _, _ =	vpop (xrf0)  }
0x9b: {  	_ =	sdelay $0x2  }
0x9c: {  	v26, _, _ =	vpop (xrf0);
	(xrf0) =	vadd.scan.msk.s32 $0xffff, v17  }
0x9d: {  	(v2sf) =	vpush v19, $0xF  }
0x9e: {  	(v2sf) =	vpush v26, $0xF  }
0x9f: {  	v27, _, _ =	vpop (xrf0)  }
0xa0: {  	(v2sf) =	vpush v27, $0xF  }
0xa1: {  	v22 =	vadd.s32 v25, v22  }
0xa2: {  	v10 =	vnsel vm0, $0x0, v10;
	v11 =	vnsel vm1, $0x0, v11;
	s20 =	spop (v2sf);
	v45 =	vsel vm0, $0x1, v0;
	v44, _, _ =	vpop (xrf0)  }
0xa3: {  	v47 =	vsel vm1, $0x1, v0;
	v10 =	vadd.s32 v22, v10;
	s19 =	sadd.s32 s20, s19;
	(v2sf) =	vpush v44, $0xF  }
0xa4: {  	v46 =	vadd.s32 v45, v23;
	v10 =	vadd.s32 v24, v10;
	v18 =	vadd.s32 s19, v18;
	s22 =	spop (v2sf)  }
0xa5: {  	v10 =	vadd.s32 v11, v10;
	v11 =	vadd.s32 v21, v46;
	vm8 =	vle.s32 v18, v4;
	(xrf0) =	vadd.scan.msk.s32 $0xffff, v16;
	s21 =	spop (v2sf);
	s19 =	sadd.s32 s22, s19  }
0xa6: {  	v48 =	vsel vm8, $0x1, v0;
	v9 =	vnsel vm8, $0x0, v9;
	v14 =	vadd.s32 s19, v14;
	s19 =	sadd.s32 s19, s21  }
0xa7: {  	v11 =	vadd.s32 v47, v11;
	v9 =	vadd.s32 v9, v10;
	s23 =	spop (v2sf);
	v13 =	vadd.s32 s19, v13  }
0xa8: {  	v52 =	vadd.s32 v48, v11;
	vm9 =	vle.s32 v14, v4;
	s19 =	sadd.s32 s23, s19;
	vm2 =	vle.s32 v13, v4  }
0xa9: {  	v49 =	vadd.s32 s19, v20;
	v6 =	vnsel vm9, $0x0, v6;
	v53 =	vsel vm9, $0x1, v0  }
0xaa: {  	v7 =	vnsel vm2, $0x0, v7;
	vm10 =	vle.s32 v49, v4;
	v6 =	vadd.s32 v9, v6  }
0xab: {  	v51 =	vsel vm2, $0x1, v0;
	v50, _, _ =	vpop (xrf0);
	v6 =	vadd.s32 v7, v6;
	v7 =	vnsel vm10, $0x0, v8;
	s24 =	spop (v2sf)  }
0xac: {  	(v2sf) =	vpush v50, $0xF;
	v6 =	vadd.s32 v7, v6;
	v7 =	vadd.s32 v53, v52;
	s19 =	sadd.s32 s24, s19;
	s25 =	spop (v2sf)  }
0xad: {  	v54 =	vsel vm10, $0x1, v0;
	v7 =	vadd.s32 v51, v7;
	s26 =	spop (v2sf);
	s20 =	sadd.s32 s25, s19  }
0xae: {  	v7 =	vadd.s32 v54, v7;
	v55 =	vadd.s32 s19, v19;
	v56 =	vadd.s32 s20, v26;
	s28 =	sadd.s32 s20, s26  }
0xaf: {  	s29 =	spop (v2sf);
	vm11 =	vle.s32 v55, v4;
	vm12 =	vle.s32 v56, v4;
	v57 =	vadd.s32 s28, v27  }
0xb0: {  	s19 =	sadd.s32 s29, s28;
	v58 =	vsel vm11, $0x1, v0;
	v5 =	vnsel vm11, $0x0, v5;
	vm13 =	vle.s32 v57, v4  }
0xb1: {  	v59 =	vadd.s32 s19, v44;
	v12 =	vnsel vm12, $0x0, v12;
	v5 =	vadd.s32 v5, v6  }
0xb2: {  	v61 =	vnsel vm13, $0x0, v15;
	vm14 =	vle.s32 v59, v4;
	v5 =	vadd.s32 v5, v12;
	s30 =	spop (v2sf)  }
0xb3: {  	v6 =	vadd.s32 v58, v7;
	v5 =	vadd.s32 v61, v5;
	v7 =	vnsel vm14, $0x0, v17;
	s19 =	sadd.s32 s30, s19  }
0xb4: {  	v5 =	vadd.s32 v7, v5;
	v7 =	vadd.s32 s19, v50;
	s19 =	simm.s32 $0x10040  }
0xb5: {  	[tilespmem:s19+$0xFFFFFFC0] =	vst v0  }
0xb6: {  	[tilespmem:s19+$0x30] =	vst v0  }
0xb7: {  	v62 =	vsel vm12, $0x1, v0;
	[tilespmem:s19+$0x20] =	vst v0  }
0xb8: {  	v60 =	vsel vm13, $0x1, v0;
	v6 =	vadd.s32 v62, v6;
	[tilespmem:s19+$0x10] =	vst v0  }
0xb9: {  	v63 =	vsel vm14, $0x1, v0;
	v6 =	vadd.s32 v60, v6;
	vm15 =	vle.s32 v7, v4;
	[tilespmem:s19+$0x0] =	vst v0  }
0xba: {  	v6 =	vadd.s32 v63, v6;
	[tilespmem:s19+$0xFFFFFFF0] =	vst v0;
	v4 =	vsel vm15, $0x1, v0;
	v7 =	vnsel vm15, $0x0, v16  }
0xbb: {  	s20 =	simm.s32 $0x0;
	s31 =	spop (v2sf);
	[tilespmem:s19+$0xFFFFFFE0] =	vst v0;
	v4 =	vadd.s32 v4, v6;
	v5 =	vadd.s32 v7, v5  }
.LBB2_9:
0xbc: {  	s20 =	sadd.s32 $0x8, s20;
	[tilespmem:s19+$0xFFFFFFD0] =	vst v0;
	s19 =	sadd.s32 $0x80, s19  }
0xbd: {  	[tilespmem:s19+$0xFFFFFFC0] =	vst v0;
	p0 =	slt.u32 s20, $0xF8  }
0xbe: {  	[tilespmem:s19+$0x30] =	vst v0  }
.Ltmp3:
0xbf: {  	[tilespmem:s19+$0x20] =	vst v0;
	(pc) =	sbr.rel @p0 .LBB2_9-.Ltmp3, $4  }
0xc0: {  	[tilespmem:s19+$0x10] =	vst v0  }
0xc1: {  	[tilespmem:s19+$0x0] =	vst v0  }
0xc2: {  	[tilespmem:s19+$0xFFFFFFF0] =	vst v0  }
0xc3: {  	[tilespmem:s19+$0xFFFFFFE0] =	vst v0  }
0xc4: {  	(xrf0) =	vadd.scan.msk.s32 $0xffff, v4;
	_ =	sdelay $0x5  }
0xc5: {  	v4, _, _ =	vpop (xrf0)  }
0xc6: {  	[tilespmem:s19+$0xFFFFFFD0] =	vst v0;
	s19 =	simm.s32 $0xFFFFFFF8;
	s20 =	simm.s32 $0x8040;
	v6 =	vbroadcast v4, $0xF  }
.LBB2_11:
0xc7: {  	v7 =	vld [tilespmem:s20+$0xFFFFFFC0];
	_ =	sdelay $0x4  }
0xc8: {  	v8 =	vshrl.u32 v7, $0x14  }
0xc9: {  	v7 =	vshrl.u32 v7, $0x8;
	vm0 =	veq.s32 v8, v6  }
0xca: {  	v7 =	vand.u32 $0xFFF, v7;
	_ =	sdelay $0x4  }
0xcb: {  	[tilespmem:v7+s14+$0x0] =	vst.idx.add.s32.msk vm0, v1  }
0xcc: {  	v7 =	vld [tilespmem:s20+$0xFFFFFFD0];
	_ =	sdelay $0x4  }
0xcd: {  	v8 =	vshrl.u32 v7, $0x14  }
0xce: {  	v7 =	vshrl.u32 v7, $0x8;
	vm9 =	veq.s32 v8, v6  }
0xcf: {  	v7 =	vand.u32 $0xFFF, v7;
	_ =	sdelay $0x4  }
0xd0: {  	[tilespmem:v7+s14+$0x0] =	vst.idx.add.s32.msk vm9, v1  }
0xd1: {  	v7 =	vld [tilespmem:s20+$0xFFFFFFE0];
	_ =	sdelay $0x4  }
0xd2: {  	v8 =	vshrl.u32 v7, $0x14  }
0xd3: {  	v7 =	vshrl.u32 v7, $0x8;
	vm10 =	veq.s32 v8, v6  }
0xd4: {  	v7 =	vand.u32 $0xFFF, v7;
	_ =	sdelay $0x4  }
0xd5: {  	[tilespmem:v7+s14+$0x0] =	vst.idx.add.s32.msk vm10, v1  }
0xd6: {  	v7 =	vld [tilespmem:s20+$0xFFFFFFF0];
	_ =	sdelay $0x4  }
0xd7: {  	v8 =	vshrl.u32 v7, $0x14  }
0xd8: {  	v7 =	vshrl.u32 v7, $0x8;
	vm11 =	veq.s32 v8, v6  }
0xd9: {  	v7 =	vand.u32 $0xFFF, v7;
	_ =	sdelay $0x4  }
0xda: {  	[tilespmem:v7+s14+$0x0] =	vst.idx.add.s32.msk vm11, v1  }
0xdb: {  	v7 =	vld [tilespmem:s20+$0x0];
	_ =	sdelay $0x4  }
0xdc: {  	v8 =	vshrl.u32 v7, $0x14  }
0xdd: {  	v7 =	vshrl.u32 v7, $0x8;
	vm12 =	veq.s32 v8, v6  }
0xde: {  	v7 =	vand.u32 $0xFFF, v7;
	_ =	sdelay $0x4  }
0xdf: {  	[tilespmem:v7+s14+$0x0] =	vst.idx.add.s32.msk vm12, v1  }
0xe0: {  	v7 =	vld [tilespmem:s20+$0x10];
	_ =	sdelay $0x4  }
0xe1: {  	v8 =	vshrl.u32 v7, $0x14  }
0xe2: {  	v7 =	vshrl.u32 v7, $0x8;
	vm13 =	veq.s32 v8, v6  }
0xe3: {  	v7 =	vand.u32 $0xFFF, v7;
	_ =	sdelay $0x4  }
0xe4: {  	[tilespmem:v7+s14+$0x0] =	vst.idx.add.s32.msk vm13, v1  }
0xe5: {  	v7 =	vld [tilespmem:s20+$0x20];
	_ =	sdelay $0x4  }
0xe6: {  	v8 =	vshrl.u32 v7, $0x14  }
0xe7: {  	v7 =	vshrl.u32 v7, $0x8;
	vm14 =	veq.s32 v8, v6  }
0xe8: {  	v7 =	vand.u32 $0xFFF, v7;
	_ =	sdelay $0x4  }
0xe9: {  	[tilespmem:v7+s14+$0x0] =	vst.idx.add.s32.msk vm14, v1  }
0xea: {  	v7 =	vld [tilespmem:s20+$0x30];
	_ =	sdelay $0x4  }
0xeb: {  	v8 =	vshrl.u32 v7, $0x14  }
0xec: {  	s19 =	sadd.s32 $0x8, s19;
	v7 =	vshrl.u32 v7, $0x8;
	vm15 =	veq.s32 v8, v6  }
0xed: {  	p0 =	slt.u32 s19, $0x7F8;
	v7 =	vand.u32 $0xFFF, v7  }
.Ltmp4:
0xee: {  	_ = 	snop;
	(pc) =	sbr.rel @p0 .LBB2_11-.Ltmp4, $2  }
0xef: {  	_ =	sdelay $0x2  }
0xf0: {  	s20 =	sadd.s32 $0x80, s20;
	[tilespmem:v7+s14+$0x0] =	vst.idx.add.s32.msk vm15, v1  }
0xf1: {  	s20 =	simm.s32 $0x10020  }
0xf2: {  	v13 =	vld [tilespmem:s20+$0xFFFFFFE0]  }
0xf3: {  	v14 =	vld [tilespmem:s20+$0xFFFFFFF0];
	_ =	sdelay $0x2  }
0xf4: {  	(xrf0) =	vadd.scan.msk.s32 $0xffff, v5  }
0xf5: {  	(xrf0) =	vadd.scan.msk.s32 $0xffff, v13  }
0xf6: {  	v15 =	vld [tilespmem:s20+$0x0];
	(xrf0) =	vadd.scan.msk.s32 $0xffff, v14  }
0xf7: {  	s23 =	simm.s32 $0x10060;
	v24 =	vld [tilespmem:s20+$0x10]  }
0xf8: {  	v6 =	vld [tilespmem:s23+$0xFFFFFFE0];
	_ =	sdelay $0x1  }
0xf9: {  	v5, _, _ =	vpop (xrf0)  }
0xfa: {  	(v2sf) =	vpush v5, $0xF;
	(xrf0) =	vadd.scan.msk.s32 $0xffff, v15;
	v12, _, _ =	vpop (xrf0)  }
0xfb: {  	(v2sf) =	vpush v12, $0xF;
	v10, _, _ =	vpop (xrf0);
	(xrf0) =	vadd.scan.msk.s32 $0xffff, v24  }
0xfc: {  	(xrf0) =	vadd.scan.msk.s32 $0xffff, v6;
	_ =	sdelay $0x1  }
0xfd: {  	v21 =	vld [tilespmem:s23+$0xFFFFFFF0]  }
0xfe: {  	(v2sf) =	vpush v10, $0xF  }
0xff: {  	v17, _, _ =	vpop (xrf0)  }
0x100: {  	(v2sf) =	vpush v17, $0xF;
	v22, _, _ =	vpop (xrf0)  }
0x101: {  	v23, _, _ =	vpop (xrf0);
	(v2sf) =	vpush v22, $0xF  }
0x102: {  	v8 =	vld [tilespmem:s23+$0x0];
	(xrf0) =	vadd.scan.msk.s32 $0xffff, v21;
	(v2sf) =	vpush v23, $0xF  }
0x103: {  	v11 =	vld [tilespmem:s23+$0x10];
	_ =	sdelay $0x1  }
0x104: {  	s24 =	simm.s32 $0x100A0  }
0x105: {  	v9 =	vld [tilespmem:s24+$0xFFFFFFE0]  }
0x106: {  	v7 =	vld [tilespmem:s24+$0xFFFFFFF0];
	(xrf0) =	vadd.scan.msk.s32 $0xffff, v8  }
0x107: {  	(xrf0) =	vadd.scan.msk.s32 $0xffff, v11;
	v25, _, _ =	vpop (xrf0);
	s19 =	spop (v2sf)  }
0x108: {  	(v2sf) =	vpush v25, $0xF;
	s21 =	spop (v2sf)  }
0x109: {  	s31 =	simm.s32 $0x0;
	s18 =	ssub.s32 s18, s19;
	s21 =	sadd.s32 $0x0, s21  }
0x10a: {  	v19 =	vadd.s32 s31, v12;
	(xrf0) =	vadd.scan.msk.s32 $0xffff, v9;
	v5 =	vmov s18;
	v18 =	vadd.s32 s21, v10;
	v10 =	vld [tilespmem:s24+$0x0]  }
0x10b: {  	(xrf0) =	vadd.scan.msk.s32 $0xffff, v7;
	vm1 =	vle.s32 v19, v5  }
0x10c: {  	v16 =	vimm.s32 $0x0;
	v26, _, _ =	vpop (xrf0);
	v13 =	vnsel vm1, $0x0, v13;
	s22 =	spop (v2sf)  }
0x10d: {  	(v2sf) =	vpush v26, $0xF;
	v20, _, _ =	vpop (xrf0);
	v13 =	vadd.s32 v16, v13;
	s25 =	sadd.s32 s22, s21  }
0x10e: {  	(v2sf) =	vpush v20, $0xF;
	s28 =	spop (v2sf);
	vm0 =	vle.s32 v18, v5;
	v17 =	vadd.s32 s25, v17  }
0x10f: {  	s26 =	simm.s32 $0x100E0;
	v12 =	vld [tilespmem:s24+$0x10];
	s19 =	sadd.s32 s28, s25;
	v27 =	vsel vm0, $0x1, v0;
	v14 =	vnsel vm0, $0x0, v14;
	vm0 =	vle.s32 v17, v5;
	(xrf0) =	vadd.scan.msk.s32 $0xffff, v10;
	s29 =	spop (v2sf)  }
0x110: {  	v19, _, _ =	vpop (xrf0);
	v22 =	vadd.s32 s19, v22;
	v14 =	vadd.s32 v14, v13;
	v15 =	vnsel vm0, $0x0, v15;
	v13 =	vld [tilespmem:s26+$0xFFFFFFE0];
	s30 =	spop (v2sf);
	s19 =	sadd.s32 s29, s19  }
0x111: {  	(v2sf) =	vpush v19, $0xF;
	v18, _, _ =	vpop (xrf0);
	v15 =	vadd.s32 v15, v14;
	v14 =	vld [tilespmem:s26+$0xFFFFFFF0];
	v23 =	vadd.s32 s19, v23;
	s19 =	sadd.s32 s19, s30  }
0x112: {  	vm2 =	vle.s32 v22, v5;
	(v2sf) =	vpush v18, $0xF;
	v22 =	vadd.s32 s19, v25;
	_ =	sdelay $0x1  }
0x113: {  	(xrf0) =	vadd.scan.msk.s32 $0xffff, v12  }
0x114: {  	v17 =	vsel vm1, $0x1, v0;
	(xrf0) =	vadd.scan.msk.s32 $0xffff, v13;
	vm1 =	vle.s32 v22, v5;
	v22, _, _ =	vpop (xrf0)  }
0x115: {  	v16 =	vadd.s32 v17, v16;
	v17 =	vsel vm0, $0x1, v0;
	(xrf0) =	vadd.scan.msk.s32 $0xffff, v14;
	(v2sf) =	vpush v22, $0xF  }
0x116: {  	v16 =	vadd.s32 v27, v16;
	s31 =	spop (v2sf);
	vm0 =	vle.s32 v23, v5;
	v23 =	vsel vm2, $0x1, v0  }
0x117: {  	v16 =	vadd.s32 v17, v16;
	s20 =	sadd.s32 s31, s19  }
0x118: {  	v24 =	vnsel vm2, $0x0, v24;
	v17 =	vld [tilespmem:s26+$0x0];
	v27 =	vadd.s32 s20, v26;
	v26 =	vadd.s32 v23, v16  }
0x119: {  	s21 =	simm.s32 $0x10120;
	s19 =	simm.s32 $0xC;
	v16 =	vld [tilespmem:s26+$0x10];
	v25 =	vsel vm1, $0x1, v0;
	v21 =	vnsel vm1, $0x0, v21;
	vm1 =	vle.s32 v27, v5;
	v23, _, _ =	vpop (xrf0)  }
.LBB2_13:
0x11a: {  	v27 =	vld [tilespmem:s21+$0xFFFFFFE0];
	s19 =	sadd.s32 $0x4, s19;
	v28, _, _ =	vpop (xrf0);
	(v2sf) =	vpush v23, $0xF;
	v30 =	vnsel vm0, $0x0, v6;
	v15 =	vadd.s32 v24, v15  }
0x11b: {  	v6 =	vmov v9;
	v24 =	vld [tilespmem:s21+$0xFFFFFFF0];
	p0 =	slt.u32 s19, $0xFC;
	(v2sf) =	vpush v28, $0xF;
	v29, _, _ =	vpop (xrf0);
	v15 =	vadd.s32 v15, v30  }
0x11c: {  	v9 =	vmovc v13;
	(v2sf) =	vpush v29, $0xF;
	v15 =	vadd.s32 v21, v15;
	v21 =	vmovc v7;
	v7 =	vmov v14  }
0x11d: {  	v31 =	vnsel vm1, $0x0, v8;
	v8 =	vmovc v10;
	(xrf0) =	vadd.scan.msk.s32 $0xffff, v17;
	s22 =	spop (v2sf);
	v10 =	vmov v17;
	v30 =	vmov v11  }
0x11e: {  	v14 =	vsel vm0, $0x1, v0;
	v15 =	vadd.s32 v31, v15;
	v11 =	vmovc v12;
	(xrf0) =	vadd.scan.msk.s32 $0xffff, v16;
	s20 =	sadd.s32 s22, s20;
	s22 =	spop (v2sf);
	v12 =	vmov v16  }
0x11f: {  	v31 =	vadd.s32 v14, v26;
	v16 =	vsel vm1, $0x1, v0;
	(xrf0) =	vadd.scan.msk.s32 $0xffff, v27;
	s23 =	spop (v2sf);
	v17 =	vadd.s32 s20, v20;
	s20 =	sadd.s32 s22, s20;
	v13 =	vmovc v27  }
.Ltmp5:
0x120: {  	v25 =	vadd.s32 v25, v31;
	(xrf0) =	vadd.scan.msk.s32 $0xffff, v24;
	v27 =	vadd.s32 s20, v19;
	s20 =	sadd.s32 s20, s23;
	s22 =	spop (v2sf);
	vm2 =	vle.s32 v17, v5;
	v19 =	vmovc v28;
	(pc) =	sbr.rel @p0 .LBB2_13-.Ltmp5, $4  }
0x121: {  	v14 =	vmovc v24;
	vm0 =	vle.s32 v27, v5;
	v17 =	vadd.s32 s20, v18;
	s20 =	sadd.s32 s22, s20;
	v26 =	vsel vm2, $0x1, v0;
	v18 =	vmovc v29  }
0x122: {  	v16 =	vadd.s32 v16, v25;
	v20 =	vmovc v23;
	vm1 =	vle.s32 v17, v5;
	v24 =	vadd.s32 s20, v22  }
0x123: {  	v26 =	vadd.s32 v26, v16;
	v17 =	vld [tilespmem:s21+$0x0];
	v22, _, _ =	vpop (xrf0);
	v25 =	vsel vm1, $0x1, v0;
	v21 =	vnsel vm1, $0x0, v21  }
0x124: {  	vm1 =	vle.s32 v24, v5;
	v24 =	vnsel vm2, $0x0, v30;
	v16 =	vld [tilespmem:s21+$0x10];
	s21 =	sadd.s32 $0x40, s21;
	(v2sf) =	vpush v22, $0xF;
	v23, _, _ =	vpop (xrf0)  }
0x125: {  	_ =	sdelay $0x2  }
0x126: {  	(xrf0) =	vadd.scan.msk.s32 $0xffff, v17;
	_ =	sdelay $0x2  }
0x127: {  	v27, _, _ =	vpop (xrf0);
	(v2sf) =	vpush v23, $0xF  }
0x128: {  	(v2sf) =	vpush v27, $0xF;
	v28, _, _ =	vpop (xrf0)  }
0x129: {  	(v2sf) =	vpush v28, $0xF  }
0x12a: {  	v29, _, _ =	vpop (xrf0)  }
0x12b: {  	(v2sf) =	vpush v29, $0xF;
	_ =	sdelay $0x3  }
0x12c: {  	s19 =	spop (v2sf)  }
0x12d: {  	v30 =	vsel vm0, $0x1, v0;
	s19 =	sadd.s32 s19, s20;
	s31 =	spop (v2sf)  }
0x12e: {  	v26 =	vadd.s32 v30, v26;
	v20 =	vadd.s32 s19, v20;
	s21 =	spop (v2sf);
	s20 =	sadd.s32 s31, s19  }
0x12f: {  	v48 =	vsel vm1, $0x1, v0;
	v25 =	vadd.s32 v25, v26;
	vm3 =	vle.s32 v20, v5;
	s22 =	sadd.s32 s20, s21  }
0x130: {  	v49 =	vsel vm3, $0x1, v0;
	v19 =	vadd.s32 s20, v19;
	s23 =	spop (v2sf);
	v18 =	vadd.s32 s22, v18  }
0x131: {  	vm2 =	vle.s32 v19, v5;
	s19 =	sadd.s32 s23, s22;
	v19 =	vadd.s32 v48, v25;
	vm4 =	vle.s32 v18, v5  }
0x132: {  	(xrf0) =	vadd.scan.msk.s32 $0xffff, v16;
	v50 =	vadd.s32 s19, v22;
	v18 =	vadd.s32 v49, v19;
	v52 =	vsel vm2, $0x1, v0;
	s24 =	spop (v2sf)  }
0x133: {  	v51 =	vsel vm4, $0x1, v0;
	vm5 =	vle.s32 v50, v5;
	v18 =	vadd.s32 v52, v18;
	s19 =	sadd.s32 s24, s19;
	s25 =	spop (v2sf)  }
0x134: {  	v53 =	vsel vm5, $0x1, v0;
	v18 =	vadd.s32 v51, v18;
	s26 =	spop (v2sf);
	v54 =	vadd.s32 s19, v23;
	s19 =	sadd.s32 s25, s19  }
0x135: {  	v18 =	vadd.s32 v53, v18;
	v55 =	vadd.s32 s19, v27;
	s19 =	sadd.s32 s19, s26;
	s28 =	spop (v2sf)  }
0x136: {  	vm8 =	vle.s32 v54, v5;
	vm6 =	vle.s32 v55, v5;
	v56 =	vadd.s32 s19, v28;
	s19 =	sadd.s32 s28, s19  }
0x137: {  	v57 =	vsel vm8, $0x1, v0;
	vm7 =	vle.s32 v56, v5;
	v58 =	vadd.s32 s19, v29;
	s29 =	spop (v2sf)  }
0x138: {  	v59, _, _ =	vpop (xrf0);
	v18 =	vadd.s32 v57, v18;
	v61 =	vsel vm6, $0x1, v0;
	v60 =	vsel vm7, $0x1, v0;
	s19 =	sadd.s32 s29, s19  }
0x139: {  	vm10 =	vle.s32 v58, v5;
	v18 =	vadd.s32 v61, v18;
	v62 =	vadd.s32 s19, v59  }
0x13a: {  	v18 =	vadd.s32 v60, v18;
	vm9 =	vle.s32 v62, v5;
	v5 =	vsel vm10, $0x1, v0  }
0x13b: {  	v5 =	vadd.s32 v5, v18;
	v63 =	vsel vm9, $0x1, v0  }
0x13c: {  	v5 =	vadd.s32 v63, v5  }
0x13d: {  	(xrf0) =	vadd.scan.msk.s32 $0xffff, v5;
	_ =	sdelay $0x4  }
0x13e: {  	(v2sf) =	vpush v59, $0xF  }
0x13f: {  	(v2sf) =	vpush v4, $0xF;
	v4, _, _ =	vpop (xrf0)  }
0x140: {  	(v2sf) =	vpush v4, $0xF;
	_ =	sdelay $0x1  }
0x141: {  	[tilespmem:$0x10000] =	vst v0  }
0x142: {  	[tilespmem:$0x10010] =	vst v0  }
0x143: {  	[tilespmem:$0x10020] =	vst v0  }
0x144: {  	[tilespmem:$0x10030] =	vst v0;
	v5 =	vadd.s32 v24, v15;
	v4 =	vnsel vm0, $0x0, v6  }
0x145: {  	[tilespmem:$0x10040] =	vst v0;
	v4 =	vadd.s32 v5, v4  }
0x146: {  	[tilespmem:$0x10050] =	vst v0;
	v5 =	vnsel vm1, $0x0, v8;
	v4 =	vadd.s32 v21, v4  }
0x147: {  	[tilespmem:$0x10060] =	vst v0;
	v6 =	vnsel vm3, $0x0, v11;
	v4 =	vadd.s32 v5, v4  }
0x148: {  	[tilespmem:$0x10070] =	vst v0;
	v5 =	vnsel vm2, $0x0, v9;
	v4 =	vadd.s32 v6, v4  }
0x149: {  	[tilespmem:$0x10080] =	vst v0;
	v6 =	vnsel vm4, $0x0, v7;
	v4 =	vadd.s32 v4, v5  }
0x14a: {  	[tilespmem:$0x10090] =	vst v0;
	v5 =	vnsel vm5, $0x0, v10;
	v4 =	vadd.s32 v6, v4  }
0x14b: {  	[tilespmem:$0x100A0] =	vst v0;
	v6 =	vnsel vm8, $0x0, v12;
	v4 =	vadd.s32 v5, v4  }
0x14c: {  	[tilespmem:$0x100B0] =	vst v0;
	s30 =	spop (v2sf);
	v5 =	vnsel vm6, $0x0, v13;
	v4 =	vadd.s32 v6, v4  }
0x14d: {  	[tilespmem:$0x100C0] =	vst v0;
	s19 =	spop (v2sf);
	v6 =	vnsel vm7, $0x0, v14;
	v4 =	vadd.s32 v4, v5  }
0x14e: {  	[tilespmem:$0x100D0] =	vst v0;
	s19 =	sshll.u32 s19, $0xC;
	v5 =	vnsel vm10, $0x0, v17;
	v4 =	vadd.s32 v6, v4;
	s31 =	spop (v2sf)  }
0x14f: {  	[tilespmem:$0x100E0] =	vst v0;
	v4 =	vadd.s32 v5, v4;
	v5 =	vnsel vm9, $0x0, v16;
	s19 =	sor.u32 s19, s31  }
0x150: {  	[tilespmem:$0x100F0] =	vst v0;
	s20 =	simm.s32 $0xFFFFFFF8;
	s21 =	simm.s32 $0x8040;
	v4 =	vadd.s32 v5, v4;
	v5 =	vmov s19  }
.LBB2_15:
0x151: {  	v6 =	vld [tilespmem:s21+$0xFFFFFFC0];
	_ =	sdelay $0x4  }
0x152: {  	v7 =	vshrl.u32 v6, $0x8  }
0x153: {  	vm0 =	veq.s32 v7, v5  }
0x154: {  	v6 =	vand.u32 $0xFF, v6;
	_ =	sdelay $0x4  }
0x155: {  	[tilespmem:v6+s14+$0x0] =	vst.idx.add.s32.msk vm0, v1  }
0x156: {  	v6 =	vld [tilespmem:s21+$0xFFFFFFD0];
	_ =	sdelay $0x4  }
0x157: {  	v7 =	vshrl.u32 v6, $0x8  }
0x158: {  	vm9 =	veq.s32 v7, v5  }
0x159: {  	v6 =	vand.u32 $0xFF, v6;
	_ =	sdelay $0x4  }
0x15a: {  	[tilespmem:v6+s14+$0x0] =	vst.idx.add.s32.msk vm9, v1  }
0x15b: {  	v6 =	vld [tilespmem:s21+$0xFFFFFFE0];
	_ =	sdelay $0x4  }
0x15c: {  	v7 =	vshrl.u32 v6, $0x8  }
0x15d: {  	vm10 =	veq.s32 v7, v5  }
0x15e: {  	v6 =	vand.u32 $0xFF, v6;
	_ =	sdelay $0x4  }
0x15f: {  	[tilespmem:v6+s14+$0x0] =	vst.idx.add.s32.msk vm10, v1  }
0x160: {  	v6 =	vld [tilespmem:s21+$0xFFFFFFF0];
	_ =	sdelay $0x4  }
0x161: {  	v7 =	vshrl.u32 v6, $0x8  }
0x162: {  	vm11 =	veq.s32 v7, v5  }
0x163: {  	v6 =	vand.u32 $0xFF, v6;
	_ =	sdelay $0x4  }
0x164: {  	[tilespmem:v6+s14+$0x0] =	vst.idx.add.s32.msk vm11, v1  }
0x165: {  	v6 =	vld [tilespmem:s21+$0x0];
	_ =	sdelay $0x4  }
0x166: {  	v7 =	vshrl.u32 v6, $0x8  }
0x167: {  	vm12 =	veq.s32 v7, v5  }
0x168: {  	v6 =	vand.u32 $0xFF, v6;
	_ =	sdelay $0x4  }
0x169: {  	[tilespmem:v6+s14+$0x0] =	vst.idx.add.s32.msk vm12, v1  }
0x16a: {  	v6 =	vld [tilespmem:s21+$0x10];
	_ =	sdelay $0x4  }
0x16b: {  	v7 =	vshrl.u32 v6, $0x8  }
0x16c: {  	vm13 =	veq.s32 v7, v5  }
0x16d: {  	v6 =	vand.u32 $0xFF, v6;
	_ =	sdelay $0x4  }
0x16e: {  	[tilespmem:v6+s14+$0x0] =	vst.idx.add.s32.msk vm13, v1  }
0x16f: {  	v6 =	vld [tilespmem:s21+$0x20];
	_ =	sdelay $0x4  }
0x170: {  	v7 =	vshrl.u32 v6, $0x8  }
0x171: {  	vm14 =	veq.s32 v7, v5  }
0x172: {  	v6 =	vand.u32 $0xFF, v6;
	_ =	sdelay $0x4  }
0x173: {  	[tilespmem:v6+s14+$0x0] =	vst.idx.add.s32.msk vm14, v1  }
0x174: {  	v6 =	vld [tilespmem:s21+$0x30];
	_ =	sdelay $0x4  }
0x175: {  	v7 =	vshrl.u32 v6, $0x8  }
0x176: {  	s20 =	sadd.s32 $0x8, s20;
	vm15 =	veq.s32 v7, v5  }
0x177: {  	p0 =	slt.u32 s20, $0x7F8;
	v6 =	vand.u32 $0xFF, v6  }
.Ltmp6:
0x178: {  	_ = 	snop;
	(pc) =	sbr.rel @p0 .LBB2_15-.Ltmp6, $2  }
0x179: {  	_ =	sdelay $0x2  }
0x17a: {  	s21 =	sadd.s32 $0x80, s21;
	[tilespmem:v6+s14+$0x0] =	vst.idx.add.s32.msk vm15, v1  }
0x17b: {  	(xrf0) =	vadd.scan.msk.s32 $0xffff, v4;
	s25 =	simm.s32 $0x10020  }
0x17c: {  	v5 =	vld [tilespmem:s25+$0xFFFFFFE0]  }
0x17d: {  	v6 =	vld [tilespmem:s25+$0xFFFFFFF0];
	_ =	sdelay $0x1  }
0x17e: {  	v7 =	vld [tilespmem:s25+$0x0];
	_ =	sdelay $0x1  }
0x17f: {  	v9 =	vld [tilespmem:s25+$0x10];
	v4, _, _ =	vpop (xrf0);
	(xrf0) =	vadd.scan.msk.s32 $0xffff, v5  }
0x180: {  	(xrf0) =	vadd.scan.msk.s32 $0xffff, v6  }
0x181: {  	(v2sf) =	vpush v4, $0xF  }
0x182: {  	(xrf0) =	vadd.scan.msk.s32 $0xffff, v7;
	_ =	sdelay $0x1  }
0x183: {  	(xrf0) =	vadd.scan.msk.s32 $0xffff, v9  }
0x184: {  	v5, _, _ =	vpop (xrf0)  }
0x185: {  	s26 =	simm.s32 $0x10060;
	(v2sf) =	vpush v5, $0xF;
	v9, _, _ =	vpop (xrf0)  }
0x186: {  	v6 =	vld [tilespmem:s26+$0xFFFFFFE0];
	(v2sf) =	vpush v9, $0xF  }
0x187: {  	v7 =	vld [tilespmem:s26+$0xFFFFFFF0];
	v10, _, _ =	vpop (xrf0)  }
0x188: {  	v12 =	vld [tilespmem:s26+$0x0];
	(v2sf) =	vpush v10, $0xF  }
0x189: {  	v13 =	vld [tilespmem:s26+$0x10];
	v11, _, _ =	vpop (xrf0)  }
0x18a: {  	(v2sf) =	vpush v11, $0xF  }
0x18b: {  	(xrf0) =	vadd.scan.msk.s32 $0xffff, v6  }
0x18c: {  	(xrf0) =	vadd.scan.msk.s32 $0xffff, v7  }
0x18d: {  	(xrf0) =	vadd.scan.msk.s32 $0xffff, v12  }
0x18e: {  	(xrf0) =	vadd.scan.msk.s32 $0xffff, v13  }
0x18f: {  	s20 =	spop (v2sf)  }
0x190: {  	s18 =	ssub.s32 s18, s20  }
0x191: {  	v60, _, _ =	vpop (xrf0);
	v4 =	vmov s18;
	s18 =	simm.s32 $0x100A0  }
0x192: {  	v7, _, _ =	vpop (xrf0);
	(v2sf) =	vpush v60, $0xF;
	v61 =	vld [tilespmem:s18+$0xFFFFFFE0]  }
0x193: {  	s24 =	simm.s32 $0x0;
	v6, _, _ =	vpop (xrf0);
	(v2sf) =	vpush v7, $0xF;
	v14 =	vld [tilespmem:s18+$0xFFFFFFF0]  }
0x194: {  	v16 =	vadd.s32 s24, v5;
	v5, _, _ =	vpop (xrf0);
	v15 =	vld [tilespmem:s18+$0x0];
	s21 =	spop (v2sf);
	(v2sf) =	vpush v6, $0xF  }
0x195: {  	v17 =	vld [tilespmem:s18+$0x10];
	s29 =	spop (v2sf);
	(v2sf) =	vpush v5, $0xF  }
0x196: {  	s28 =	sadd.s32 $0x0, s21  }
0x197: {  	v8 =	vimm.s32 $0x0;
	vm0 =	vle.s32 v16, v4;
	v9 =	vadd.s32 s28, v9;
	s20 =	sadd.s32 s29, s28;
	s30 =	spop (v2sf);
	(xrf0) =	vadd.scan.msk.s32 $0xffff, v61  }
0x198: {  	v62 =	vsel vm0, $0x1, v0;
	vm13 =	vle.s32 v9, v4;
	v9 =	vadd.s32 s20, v10;
	s20 =	sadd.s32 s30, s20;
	(xrf0) =	vadd.scan.msk.s32 $0xffff, v14  }
0x199: {  	s31 =	spop (v2sf);
	v63 =	vsel vm13, $0x1, v0;
	vm14 =	vle.s32 v9, v4;
	v9 =	vadd.s32 s20, v11;
	(xrf0) =	vadd.scan.msk.s32 $0xffff, v15  }
0x19a: {  	s21 =	sadd.s32 s31, s20;
	v11 =	vadd.s32 v62, v8;
	v10 =	vsel vm14, $0x1, v0;
	vm15 =	vle.s32 v9, v4;
	(xrf0) =	vadd.scan.msk.s32 $0xffff, v17  }
0x19b: {  	s20 =	simm.s32 $0x8;
	v8 =	vadd.s32 s21, v60;
	v11 =	vadd.s32 v63, v11;
	v9 =	vsel vm15, $0x1, v0  }
.LBB2_17:
0x19c: {  	s20 =	sadd.s32 $0x4, s20;
	v10 =	vadd.s32 v10, v11  }
0x19d: {  	s18 =	sadd.s32 $0x40, s18;
	p0 =	slt.u32 s20, $0xC;
	v11, _, _ =	vpop (xrf0);
	v9 =	vadd.s32 v9, v10  }
0x19e: {  	v10 =	vld [tilespmem:s18+$0xFFFFFFE0];
	(v2sf) =	vpush v11, $0xF;
	v12, _, _ =	vpop (xrf0)  }
0x19f: {  	v13 =	vld [tilespmem:s18+$0xFFFFFFF0];
	(v2sf) =	vpush v12, $0xF;
	v14, _, _ =	vpop (xrf0)  }
0x1a0: {  	v15 =	vld [tilespmem:s18+$0x0];
	(v2sf) =	vpush v14, $0xF;
	v16, _, _ =	vpop (xrf0)  }
0x1a1: {  	v17 =	vld [tilespmem:s18+$0x10];
	(v2sf) =	vpush v16, $0xF;
	s22 =	spop (v2sf)  }
0x1a2: {  	s21 =	sadd.s32 s21, s22;
	s22 =	spop (v2sf)  }
.Ltmp7:
0x1a3: {  	vm0 =	vle.s32 v8, v4;
	(xrf0) =	vadd.scan.msk.s32 $0xffff, v10;
	v8 =	vadd.s32 s21, v7;
	s21 =	sadd.s32 s22, s21;
	s22 =	spop (v2sf);
	v7 =	vmov v12;
	(pc) =	sbr.rel @p0 .LBB2_17-.Ltmp7, $4  }
0x1a4: {  	v10 =	vsel vm0, $0x1, v0;
	(xrf0) =	vadd.scan.msk.s32 $0xffff, v13;
	vm0 =	vle.s32 v8, v4;
	v8 =	vadd.s32 s21, v6;
	s21 =	sadd.s32 s22, s21;
	s22 =	spop (v2sf);
	v6 =	vmovc v14  }
0x1a5: {  	(xrf0) =	vadd.scan.msk.s32 $0xffff, v15;
	v12 =	vsel vm0, $0x1, v0;
	vm0 =	vle.s32 v8, v4;
	v8 =	vadd.s32 s21, v5;
	s21 =	sadd.s32 s22, s21;
	v5 =	vmovc v16  }
0x1a6: {  	v9 =	vadd.s32 v10, v9;
	(xrf0) =	vadd.scan.msk.s32 $0xffff, v17;
	v10 =	vsel vm0, $0x1, v0;
	vm0 =	vle.s32 v8, v4  }
0x1a7: {  	v8 =	vadd.s32 s21, v11;
	v11 =	vadd.s32 v12, v9;
	v9 =	vsel vm0, $0x1, v0  }
0x1a8: {  	_ = 	snop  }
0x1a9: {  	v12, _, _ =	vpop (xrf0)  }
0x1aa: {  	(v2sf) =	vpush v12, $0xF;
	_ =	sdelay $0x1  }
0x1ab: {  	v13, _, _ =	vpop (xrf0)  }
0x1ac: {  	(v2sf) =	vpush v13, $0xF;
	v14, _, _ =	vpop (xrf0)  }
0x1ad: {  	(v2sf) =	vpush v14, $0xF;
	_ =	sdelay $0x5  }
0x1ae: {  	s18 =	spop (v2sf)  }
0x1af: {  	s18 =	sadd.s32 s21, s18;
	s20 =	spop (v2sf)  }
0x1b0: {  	v10 =	vadd.s32 v10, v11;
	vm0 =	vle.s32 v8, v4;
	v7 =	vadd.s32 s18, v7;
	s18 =	sadd.s32 s20, s18  }
0x1b1: {  	v8 =	vsel vm0, $0x1, v0;
	s24 =	spop (v2sf);
	vm0 =	vle.s32 v7, v4;
	v6 =	vadd.s32 s18, v6  }
0x1b2: {  	v7 =	vadd.s32 v9, v10;
	s18 =	sadd.s32 s24, s18;
	s25 =	spop (v2sf);
	v9 =	vsel vm0, $0x1, v0;
	vm0 =	vle.s32 v6, v4  }
0x1b3: {  	v5 =	vadd.s32 s18, v5;
	s18 =	sadd.s32 s25, s18;
	v6 =	vadd.s32 v8, v7;
	v7 =	vsel vm0, $0x1, v0;
	s26 =	spop (v2sf)  }
0x1b4: {  	vm0 =	vle.s32 v5, v4;
	v5 =	vadd.s32 s18, v12;
	v6 =	vadd.s32 v9, v6;
	s18 =	sadd.s32 s18, s26  }
0x1b5: {  	v8 =	vsel vm0, $0x1, v0;
	vm0 =	vle.s32 v5, v4;
	v5 =	vadd.s32 s18, v13  }
0x1b6: {  	v6 =	vadd.s32 v7, v6;
	s28 =	spop (v2sf)  }
0x1b7: {  	v7 =	vsel vm0, $0x1, v0;
	v6 =	vadd.s32 v8, v6;
	s18 =	sadd.s32 s28, s18;
	s29 =	spop (v2sf)  }
0x1b8: {  	v6 =	vadd.s32 v7, v6;
	vm0 =	vle.s32 v5, v4;
	v8 =	vadd.s32 s18, v14;
	s18 =	sadd.s32 s29, s18;
	v5, _, _ =	vpop (xrf0)  }
0x1b9: {  	v9 =	vsel vm0, $0x1, v0;
	vm0 =	vle.s32 v8, v4;
	v8 =	vadd.s32 s18, v5  }
0x1ba: {  	v7 =	vsel vm0, $0x1, v0;
	vm0 =	vle.s32 v8, v4;
	v4 =	vadd.s32 v9, v6  }
0x1bb: {  	v6 =	vsel vm0, $0x1, v0;
	v4 =	vadd.s32 v7, v4  }
0x1bc: {  	v4 =	vadd.s32 v6, v4  }
0x1bd: {  	(xrf0) =	vadd.scan.msk.s32 $0xffff, v4;
	_ =	sdelay $0x5  }
0x1be: {  	(v2sf) =	vpush v5, $0xF;
	v4, _, _ =	vpop (xrf0)  }
0x1bf: {  	(v2sf) =	vpush v4, $0xF;
	_ =	sdelay $0xd  }
0x1c0: {  	s30 =	spop (v2sf)  }
0x1c1: {  	s19 =	sshll.u32 s19, $0x8;
	s18 =	simm.s32 $0x40;
	s31 =	spop (v2sf)  }
0x1c2: {  	v5 =	vld [tilespmem:s18+$0xFFFFFFC0];
	s19 =	sor.u32 s19, s31  }
0x1c3: {  	v10 =	vld [tilespmem:s18+$0xFFFFFFD0];
	v4 =	vmov s19  }
0x1c4: {  	v9 =	vld [tilespmem:s18+$0xFFFFFFE0];
	vm0 =	vgt.s32 v4, $0xFFFFFFFF  }
0x1c5: {  	v8 =	vld [tilespmem:s18+$0x0];
	v4 =	vsel vm0, $0xFFFFFFFF, v3  }
0x1c6: {  	v6 =	vld [tilespmem:s18+$0x10];
	v4 =	vxor.u32 s19, v4  }
0x1c7: {  	v7 =	vld [tilespmem:s18+$0x20];
	vm0 =	vge.f32 v5, v4  }
0x1c8: {  	v11 =	vnsel vm0, $0x0, v5;
	vm0 =	vge.f32 v10, v4;
	v5 =	vld [tilespmem:s18+$0x30]  }
0x1c9: {  	s20 =	simm.s32 $0xC0;
	s19 =	simm.s32 $0x0;
	[tilespmem:s18+$0xFFFFFFC0] =	vst v11;
	v11 =	vnsel vm0, $0x0, v10;
	vm0 =	vge.f32 v9, v4;
	v10 =	vld [tilespmem:s18+$0xFFFFFFF0]  }
.LBB2_19:
0x1ca: {  	v12 =	vld [tilespmem:s20+$0xFFFFFFC0];
	[tilespmem:s18+$0xFFFFFFD0] =	vst v11;
	v9 =	vnsel vm0, $0x0, v9;
	vm0 =	vge.f32 v8, v4  }
0x1cb: {  	s19 =	sadd.s32 $0x8, s19;
	v11 =	vld [tilespmem:s20+$0xFFFFFFD0];
	[tilespmem:s18+$0xFFFFFFE0] =	vst v9;
	v8 =	vnsel vm0, $0x0, v8;
	vm0 =	vge.f32 v6, v4  }
0x1cc: {  	p0 =	slt.u32 s19, $0x7F8;
	v9 =	vld [tilespmem:s20+$0xFFFFFFE0];
	[tilespmem:s18+$0x0] =	vst v8;
	v6 =	vnsel vm0, $0x0, v6;
	vm0 =	vge.f32 v7, v4  }
.Ltmp8:
0x1cd: {  	v8 =	vld [tilespmem:s20+$0x0];
	[tilespmem:s18+$0x10] =	vst v6;
	v7 =	vnsel vm0, $0x0, v7;
	vm0 =	vge.f32 v5, v4;
	(pc) =	sbr.rel @p0 .LBB2_19-.Ltmp8, $4  }
0x1ce: {  	v6 =	vld [tilespmem:s20+$0x10];
	vm1 =	vge.f32 v10, v4;
	[tilespmem:s18+$0x20] =	vst v7;
	v5 =	vnsel vm0, $0x0, v5  }
0x1cf: {  	vm0 =	vge.f32 v12, v4;
	v7 =	vld [tilespmem:s20+$0x20];
	v10 =	vnsel vm1, $0x0, v10;
	[tilespmem:s18+$0x30] =	vst v5  }
0x1d0: {  	v12 =	vnsel vm0, $0x0, v12;
	vm0 =	vge.f32 v11, v4;
	v5 =	vld [tilespmem:s20+$0x30];
	[tilespmem:s18+$0xFFFFFFF0] =	vst v10;
	s18 =	smov.u32 s20  }
0x1d1: {  	s20 =	sadd.s32 $0x80, s20;
	[tilespmem:s18+$0xFFFFFFC0] =	vst v12;
	v11 =	vnsel vm0, $0x0, v11;
	vm0 =	vge.f32 v9, v4;
	v10 =	vld [tilespmem:s18+$0xFFFFFFF0]  }
0x1d2: {  	[tilespmem:s18+$0xFFFFFFD0] =	vst v11;
	v9 =	vnsel vm0, $0x0, v9;
	vm12 =	vge.f32 v8, v4  }
0x1d3: {  	[tilespmem:s18+$0xFFFFFFE0] =	vst v9;
	v8 =	vnsel vm12, $0x0, v8;
	vm13 =	vge.f32 v6, v4  }
0x1d4: {  	[tilespmem:s18+$0x0] =	vst v8;
	v6 =	vnsel vm13, $0x0, v6;
	vm14 =	vge.f32 v7, v4  }
0x1d5: {  	[tilespmem:s18+$0x10] =	vst v6;
	v63 =	vnsel vm14, $0x0, v7;
	vm15 =	vge.f32 v5, v4  }
0x1d6: {  	s16 =	sadd.s32 $0x1, s16;
	vm1 =	vge.f32 v10, v4;
	[tilespmem:s18+$0x20] =	vst v63;
	v4 =	vnsel vm15, $0x0, v5  }
0x1d7: {  	p0 =	sne.s32 s16, $0x4;
	v5 =	vnsel vm1, $0x0, v10;
	[tilespmem:s18+$0x30] =	vst v4  }
.Ltmp9:
0x1d8: {  	s17 =	sadd.s32 s3, s17;
	[tilespmem:s18+$0xFFFFFFF0] =	vst v5;
	(pc) =	sbr.rel @p0 .LBB2_2-.Ltmp9, $4  }
0x1d9: {  	[hbm4b:s17+s11] =	stream.strided.scatter [tilespmem:s4], [sflag:$0x1], $0x8000, s12, s11, $0x38;
	[tilespmem:$0x11080] =	vst v63  }
0x1da: {  	_ =	swait.ge [sflag:s10], $0x8000  }
0x1db: {  	[sflag:s10] =	ssyncset.done $0x0  }
0x1dc: {  	[sflag:s10] =	ssyncadd.s32 $0xFFFF8000  }
0x1dd: {  	s15 =	sadd.s32 $0x1, s15  }
0x1de: {  	p0 =	sne.s32 s15, s8  }
.Ltmp10:
0x1df: {  	_ = 	snop;
	(pc) =	sbr.rel @p0 .LBB2_1-.Ltmp10, $1  }
0x1e0: {  	_ =	sdelay $0x3  }
0x1e1: {  	_ =	sfence.sel $0x180000  }
0x1e2: {  	[bflag:$0x0] =	sbarrier.arrive $0xFFFF  }
0x1e3: {  	p0 =	sne.s32 s5, $0x0;
	_ =	strace $0x90000047  }
0x1e4: {  	s0 =	sadd.s32 @!p0 $0x100000, s0;
	[bflag:$0x2] =	sbarrier.arrive $0xFFFF  }
0x1e5: {  	[sflag:s0] =	ssyncadd.tile.s32 @!p0 $0x1;
	_ =	shalt  }
.Lfunc_end2:
_tile_overlayer_lowered:
.L_overlay_start_2:
0x1e6: {  	(tag) =	ssettag $0x2  }
0x1e7: {  	s0 =	rddreg [dreg:$0x0];
	s2 =	stileid.u32  }
0x1e8: {  	s1 =	rddreg [dreg:$0x1];
	p0 =	sne.s32 s2, $0x0  }
0x1e9: {  	s3 =	rddreg [dreg:$0x2];
	[bflag:$0x3] =	sbarrier.arrive $0xFFFF;
	s2 =	simm.s32 @!p0 $0x1C01  }
0x1ea: {  	[timem:s3], [sflag:s2] =	dma.local @!p0 [hbm:s0], s1  }
0x1eb: {  	s0 =	simm.s32 @!p0 $0x1  }
0x1ec: {  	_ =	swait.ge @!p0 [sflag:s0], s1  }
0x1ed: {  	s1 =	ssub.s32 @!p0 $0x0, s1;
	[sflag:s0] =	ssyncset.done @!p0 $0x0  }
0x1ee: {  	[sflag:s0] =	ssyncadd.s32 @!p0 s1  }
0x1ef: {  	[bflag:$0x3] =	sbarrier.arrive $0xFFFF  }
0x1f0: {  	_ =	shalt  }

</sc_bundles>
